<compile_context>
chip_gen: v7x
topology: tpu7x:2x2x1
jax: 0.10.2.dev20260603
libtpu: 0.0.44.dev20260713+nightly
codegen_flags: <defaults>
</compile_context>

<pallas_src>
import functools

import jax
import jax.numpy as jnp
from jax import lax
from jax.experimental import pallas as pl
from jax.experimental.pallas import tpu as pltpu
from jax.experimental.pallas import tpu_sc as plsc

_CHUNK = 128




def _sc_degrees(n_nodes, kpt, nc, ns):
    np1 = n_nodes + 1
    mesh = plsc.VectorSubcoreMesh(core_axis_name="c", subcore_axis_name="s")

    @functools.partial(
        pl.kernel,
        mesh=mesh,
        compiler_params=pltpu.CompilerParams(use_tc_tiling_on_sc=False, needs_layout_passes=False),
        out_type=jax.ShapeDtypeStruct((2, 2, np1), jnp.float32),
        scratch_types=[
            pltpu.VMEM((kpt, _CHUNK), jnp.int32),
            pltpu.VMEM((kpt, _CHUNK), jnp.int32),
            pltpu.VMEM((_CHUNK,), jnp.float32),
            pltpu.VMEM_SHARED((np1,), jnp.float32),
            pltpu.VMEM_SHARED((np1,), jnp.float32),
            pltpu.SemaphoreType.DMA,
            pltpu.SemaphoreType.DMA,
        ],
    )
    def deg_kernel(src_hbm, dst_hbm, zero_hbm, out_hbm, sbuf, dbuf, ones_v,
                   oacc, iacc, osem, isem):
        c = lax.axis_index("c")
        s = lax.axis_index("s")
        g = s * nc + c
        for k in range(_CHUNK // 16):
            ones_v[pl.ds(16 * k, 16)] = jnp.ones((16,), jnp.float32)

        @pl.when(s == 0)
        def _init():
            pltpu.sync_copy(zero_hbm, oacc)
            pltpu.sync_copy(zero_hbm, iacc)

        plsc.subcore_barrier()
        pltpu.sync_copy(src_hbm.at[g], sbuf)
        pltpu.sync_copy(dst_hbm.at[g], dbuf)

        lag = 4

        def step(j, carry):
            @pl.when(j >= lag)
            def _drain_old():
                pltpu.make_async_copy(zero_hbm.at[pl.ds(0, _CHUNK)], ones_v, osem).wait()
                pltpu.make_async_copy(zero_hbm.at[pl.ds(0, _CHUNK)], ones_v, isem).wait()

            pltpu.async_copy(ones_v, oacc.at[sbuf.at[j]], osem, add=True)
            pltpu.async_copy(ones_v, iacc.at[dbuf.at[j]], isem, add=True)
            return carry

        lax.fori_loop(0, kpt, step, 0)

        def drain(j, carry):
            pltpu.make_async_copy(zero_hbm.at[pl.ds(0, _CHUNK)], ones_v, osem).wait()
            pltpu.make_async_copy(zero_hbm.at[pl.ds(0, _CHUNK)], ones_v, isem).wait()
            return carry

        lax.fori_loop(0, min(lag, kpt), drain, 0)
        plsc.subcore_barrier()

        @pl.when(s == 0)
        def _writeout():
            pltpu.sync_copy(oacc, out_hbm.at[c, 0])
            pltpu.sync_copy(iacc, out_hbm.at[c, 1])

    return deg_kernel


def _sc_edge_rows(n_nodes, width, kpt, nc, ns):
    np1 = n_nodes + 1
    mesh = plsc.VectorSubcoreMesh(core_axis_name="c", subcore_axis_name="s")

    @functools.partial(
        pl.kernel,
        mesh=mesh,
        compiler_params=pltpu.CompilerParams(use_tc_tiling_on_sc=False, needs_layout_passes=False),
        out_type=jax.ShapeDtypeStruct((2, np1, width), jnp.float32),
        scratch_types=[
            pltpu.VMEM((kpt, _CHUNK), jnp.int32),
            pltpu.VMEM((kpt, _CHUNK), jnp.int32),
            pltpu.VMEM((2, _CHUNK, width), jnp.float32),
            pltpu.VMEM_SHARED((np1, width), jnp.float32),
            pltpu.VMEM_SHARED((np1, width), jnp.float32),
            pltpu.SemaphoreType.DMA((2,)),
            pltpu.SemaphoreType.DMA((2,)),
        ],
    )
    def rows_kernel(src_hbm, dst_hbm, z_hbm, zero_hbm, out_hbm, sbuf, dbuf,
                    rows2, z_sp, acc, gsems, ssems):
        c = lax.axis_index("c")
        s = lax.axis_index("s")
        g = s * nc + c

        @pl.when(s == 0)
        def _init():
            pltpu.sync_copy(zero_hbm, acc)

        @pl.when(s == 1)
        def _stage():
            pltpu.sync_copy(z_hbm, z_sp)

        plsc.subcore_barrier()
        pltpu.sync_copy(src_hbm.at[g], sbuf)
        pltpu.sync_copy(dst_hbm.at[g], dbuf)

        pltpu.async_copy(z_sp.at[sbuf.at[0]], rows2.at[0], gsems.at[0])

        def step(j, carry):
            slot = j % 2
            nslot = (j + 1) % 2

            @pl.when(j >= 1)
            def _drain_prev_scatter():
                pltpu.make_async_copy(z_hbm.at[pl.ds(0, _CHUNK)],
                                      rows2.at[nslot],
                                      ssems.at[nslot]).wait()

            @pl.when(j + 1 < kpt)
            def _issue_next_gather():
                pltpu.async_copy(z_sp.at[sbuf.at[j + 1]], rows2.at[nslot],
                                 gsems.at[nslot])

            pltpu.make_async_copy(z_hbm.at[pl.ds(0, _CHUNK)], rows2.at[slot],
                                  gsems.at[slot]).wait()
            pltpu.async_copy(rows2.at[slot], acc.at[dbuf.at[j]],
                             ssems.at[slot], add=True)
            return carry

        lax.fori_loop(0, kpt, step, 0)
        pltpu.make_async_copy(z_hbm.at[pl.ds(0, _CHUNK)], rows2.at[(kpt - 1) % 2],
                              ssems.at[(kpt - 1) % 2]).wait()
        plsc.subcore_barrier()

        @pl.when(s == 0)
        def _writeout():
            pltpu.sync_copy(acc, out_hbm.at[c])

    return rows_kernel


def _sc_edge_scalar(n_nodes, kpt, nc, ns):
    np1 = n_nodes + 1
    mesh = plsc.VectorSubcoreMesh(core_axis_name="c", subcore_axis_name="s")

    @functools.partial(
        pl.kernel,
        mesh=mesh,
        compiler_params=pltpu.CompilerParams(use_tc_tiling_on_sc=False, needs_layout_passes=False),
        out_type=jax.ShapeDtypeStruct((2, np1), jnp.float32),
        scratch_types=[
            pltpu.VMEM((kpt, _CHUNK), jnp.int32),
            pltpu.VMEM((kpt, _CHUNK), jnp.int32),
            pltpu.VMEM((2, _CHUNK), jnp.float32),
            pltpu.VMEM_SHARED((np1,), jnp.float32),
            pltpu.VMEM_SHARED((np1,), jnp.float32),
            pltpu.SemaphoreType.DMA((2,)),
            pltpu.SemaphoreType.DMA((2,)),
        ],
    )
    def scal_kernel(src_hbm, dst_hbm, v_hbm, zero_hbm, out_hbm, sbuf, dbuf,
                    vals2, v_sp, acc, gsems, ssems):
        c = lax.axis_index("c")
        s = lax.axis_index("s")
        g = s * nc + c

        @pl.when(s == 0)
        def _init():
            pltpu.sync_copy(zero_hbm, acc)

        @pl.when(s == 1)
        def _stage():
            pltpu.sync_copy(v_hbm, v_sp)

        plsc.subcore_barrier()
        pltpu.sync_copy(src_hbm.at[g], sbuf)
        pltpu.sync_copy(dst_hbm.at[g], dbuf)

        pltpu.async_copy(v_sp.at[sbuf.at[0]], vals2.at[0], gsems.at[0])

        def step(j, carry):
            slot = j % 2
            nslot = (j + 1) % 2

            @pl.when(j >= 1)
            def _drain_prev_scatter():
                pltpu.make_async_copy(v_hbm.at[pl.ds(0, _CHUNK)],
                                      vals2.at[nslot],
                                      ssems.at[nslot]).wait()

            @pl.when(j + 1 < kpt)
            def _issue_next_gather():
                pltpu.async_copy(v_sp.at[sbuf.at[j + 1]], vals2.at[nslot],
                                 gsems.at[nslot])

            pltpu.make_async_copy(v_hbm.at[pl.ds(0, _CHUNK)], vals2.at[slot],
                                  gsems.at[slot]).wait()
            pltpu.async_copy(vals2.at[slot], acc.at[dbuf.at[j]],
                             ssems.at[slot], add=True)
            return carry

        lax.fori_loop(0, kpt, step, 0)
        pltpu.make_async_copy(v_hbm.at[pl.ds(0, _CHUNK)], vals2.at[(kpt - 1) % 2],
                              ssems.at[(kpt - 1) % 2]).wait()
        plsc.subcore_barrier()

        @pl.when(s == 0)
        def _writeout():
            pltpu.sync_copy(acc, out_hbm.at[c])

    return scal_kernel




def _tc_a_body(n, deg_ref, h_ref, w1_ref, z_ref, on_ref, in_ref):
    out_deg = deg_ref[0, 0, pl.ds(0, n)] + deg_ref[1, 0, pl.ds(0, n)]
    in_deg = deg_ref[0, 1, pl.ds(0, n)] + deg_ref[1, 1, pl.ds(0, n)]
    onorm = lax.rsqrt(jnp.maximum(out_deg, 1.0))
    inorm = lax.rsqrt(jnp.maximum(in_deg, 1.0))
    on_ref[...] = onorm
    in_ref[...] = inorm
    z0 = jnp.dot(h_ref[...], w1_ref[...], preferred_element_type=jnp.float32)
    z_ref[pl.ds(0, n), :] = z0 * onorm[:, None]
    z_ref[pl.ds(n, 1), :] = jnp.zeros((1, z_ref.shape[1]), jnp.float32)


def _tc_b_body(n, agg_ref, on_ref, in_ref, b1_ref, w2_ref, v_ref):
    agg = agg_ref[0, pl.ds(0, n), :] + agg_ref[1, pl.ds(0, n), :]
    pre = agg * in_ref[...][:, None] + b1_ref[...]
    h1 = jnp.where(pre > 0, pre, jnp.exp(jnp.minimum(pre, 0.0)) - 1.0)
    w2m = jnp.mean(w2_ref[...], axis=1)
    v_ref[pl.ds(0, n)] = jnp.sum(h1 * w2m[None, :], axis=1) * on_ref[...]
    v_ref[pl.ds(n, 1)] = jnp.zeros((1,), jnp.float32)


def _tc_c_body(n, s_ref, in_ref, b2_ref, o_ref):
    o_ref[...] = ((s_ref[0, pl.ds(0, n)] + s_ref[1, pl.ds(0, n)])
                  * in_ref[...] + jnp.mean(b2_ref[...]))




def kernel(h, edge_index, W1, b1, W2, b2):
    n, _ = h.shape
    e = edge_index.shape[1]
    hid = W1.shape[1]
    np1 = n + 1
    f32 = jnp.float32

    info = plsc.get_sparse_core_info()
    nc, ns = info.num_cores, info.num_subcores
    nw = nc * ns

    per_tile = -(-e // (nw * _CHUNK)) * _CHUNK
    ep = per_tile * nw
    kpt = per_tile // _CHUNK
    if ep != e:
        pad = jnp.full((2, ep - e), n, dtype=jnp.int32)
        epad = jnp.concatenate([edge_index.astype(jnp.int32), pad], axis=1)
    else:
        epad = edge_index.astype(jnp.int32)
    src3 = epad[0].reshape(nw, kpt, _CHUNK)
    dst3 = epad[1].reshape(nw, kpt, _CHUNK)

    zeros_1 = jnp.zeros((np1,), f32)
    zeros_w = jnp.zeros((np1, hid), f32)

    deg2 = _sc_degrees(n, kpt, nc, ns)(src3, dst3, zeros_1)

    z_p, onorm, inorm = pl.pallas_call(
        functools.partial(_tc_a_body, n),
        out_shape=(
            jax.ShapeDtypeStruct((np1, hid), f32),
            jax.ShapeDtypeStruct((n,), f32),
            jax.ShapeDtypeStruct((n,), f32),
        ),
    )(deg2, h, W1)

    agg2 = _sc_edge_rows(n, hid, kpt, nc, ns)(src3, dst3, z_p, zeros_w)

    v_p = pl.pallas_call(
        functools.partial(_tc_b_body, n),
        out_shape=jax.ShapeDtypeStruct((np1,), f32),
    )(agg2, onorm, inorm, b1.reshape(1, hid), W2)

    s2 = _sc_edge_scalar(n, kpt, nc, ns)(src3, dst3, v_p, zeros_1)

    logits = pl.pallas_call(
        functools.partial(_tc_c_body, n),
        out_shape=jax.ShapeDtypeStruct((n,), f32),
    )(s2, inorm, b2.reshape(1, -1))
    return logits

# --- scband reference (transcript-rebuilt; emitter-appended) ---
"""Pipeline reference for scband-gcn-dgl-59717225284235 (READ-ONLY COPY).

The authoritative reference and input builder live on the scoring server;
editing this copy changes nothing except your own understanding.
"""

import jax, jax.numpy as jnp
import numpy as np

N = 10000
E = 320000
D_IN = 128
HID = 8
NCLS = 16


def setup_inputs(seed: int = 0) -> dict:
    key = jax.random.key(seed)
    k1, k2, k3, k4 = jax.random.split(key, 4)
    h = jax.random.normal(k1, (N, D_IN), dtype=jnp.float32)
    edge_index = jax.random.randint(k2, (2, E), 0, N, dtype=jnp.int32)
    # GraphConv layer 0: in_dim -> num_hidden (Glorot-ish init)
    W1 = jax.random.normal(k3, (D_IN, HID), dtype=jnp.float32) * (1.0 / np.sqrt(D_IN))
    b1 = jnp.zeros((HID,), dtype=jnp.float32)
    # GraphConv layer 1 (output): num_hidden -> num_classes
    W2 = jax.random.normal(k4, (HID, NCLS), dtype=jnp.float32) * (1.0 / np.sqrt(HID))
    b2 = jnp.zeros((NCLS,), dtype=jnp.float32)
    return {"h": h, "edge_index": edge_index, "W1": W1, "b1": b1, "W2": W2, "b2": b2}


def _graph_conv(h, W, b, src, dst, out_norm, in_norm, activation):
    # DGL GraphConv with norm='both':
    #   h' = act( D_in^{-1/2} * A * D_out^{-1/2} * h * W + b )
    # DGL applies the weight before aggregation when in_dim > out_dim
    # (mathematically equivalent either way).
    h = h * out_norm[:, None]
    h = h @ W
    m = jnp.take(h, src, axis=0)              # gather messages from src nodes
    agg = jax.ops.segment_sum(m, dst, num_segments=N)  # scatter-add to dst nodes
    agg = agg * in_norm[:, None]
    out = agg + b
    if activation is not None:
        out = activation(out)
    return out


def reference(h, edge_index, W1, b1, W2, b2):
    src = edge_index[0]
    dst = edge_index[1]
    ones = jnp.ones((E,), dtype=jnp.float32)
    out_deg = jax.ops.segment_sum(ones, src, num_segments=N)
    in_deg = jax.ops.segment_sum(ones, dst, num_segments=N)
    out_norm = jnp.clip(out_deg, 1.0) ** -0.5  # allow_zero_in_degree handling
    in_norm = jnp.clip(in_deg, 1.0) ** -0.5
    # forward: for l in range(num_layers): h = gcn_layers[l](g, h).flatten(1)
    h1 = _graph_conv(h, W1, b1, src, dst, out_norm, in_norm, jax.nn.elu)
    h1 = h1.reshape(N, -1)
    # logits = gcn_layers[-1](g, h).mean(1)
    out = _graph_conv(h1, W2, b2, src, dst, out_norm, in_norm, None)
    logits = out.mean(axis=1)
    return logits

if __name__ == "__main__":
    import jax
    _d = setup_inputs()
    print(jax.jit(kernel)(*tuple(_d.values())))

</pallas_src>

<mosaic_0001>
#map = affine_map<(d0, d1) -> (0, 0, 0)>
#map1 = affine_map<(d0, d1) -> (0)>
#map2 = affine_map<(d0, d1) -> (0, 0)>
module attributes {stable_mosaic.version = 14 : i64} {
  func.func @scal_kernel(%arg0: i32, %arg1: i32, %arg2: memref<32x79x128xi32, #tpu.memory_space<hbm>>, %arg3: memref<32x79x128xi32, #tpu.memory_space<hbm>>, %arg4: memref<10001xf32, #tpu.memory_space<hbm>>, %arg5: memref<10001xf32, #tpu.memory_space<hbm>>, %arg6: memref<2x10001xf32, #tpu.memory_space<hbm>>, %arg7: memref<79x128xi32, #tpu.memory_space<vmem>>, %arg8: memref<79x128xi32, #tpu.memory_space<vmem>>, %arg9: memref<2x128xf32, #tpu.memory_space<vmem>>, %arg10: memref<10001xf32, #tpu.memory_space<vmem_shared>>, %arg11: memref<10001xf32, #tpu.memory_space<vmem_shared>>, %arg12: memref<2x!tpu.dma_semaphore, #tpu.memory_space<semaphore_mem>>, %arg13: memref<2x!tpu.dma_semaphore, #tpu.memory_space<semaphore_mem>>) attributes {dimension_semantics = [#tpu.dimension_semantics<core_parallel>, #tpu.dimension_semantics<subcore_parallel>], iteration_bounds = array<i64: 2, 16>, scalar_prefetch = 0 : i64, scratch_operands = 7 : i64, tpu.core_type = #tpu.core_type<sc_vector_subcore>, window_params = [{transform_indices = #map}, {transform_indices = #map}, {transform_indices = #map1}, {transform_indices = #map1}, {transform_indices = #map2}]} {
    %mul3A = arith.constant 2 : i32
    %mul3A_0 = arith.muli %arg1, %mul3A : i32
    %add3A = arith.addi %mul3A_0, %arg0 : i32
    %eq3A = arith.constant 0 : i32
    %eq3A_1 = arith.cmpi eq, %arg1, %eq3A : i32
    %convert_element_type3A = arith.extui %eq3A_1 : i1 to i32
    %cond3A = arith.constant 0 : i32
    %cond3A_2 = arith.cmpi ne, %convert_element_type3A, %cond3A : i32
    scf.if %cond3A_2 {
      "tpu.region"() ({
        %run_scoped3A = tpu.sem_alloc : memref<!tpu.dma_semaphore, #tpu.memory_space<semaphore_mem>>
        tpu.enqueue_dma source(%arg5 : memref<10001xf32, #tpu.memory_space<hbm>>) target(%arg11 : memref<10001xf32, #tpu.memory_space<vmem_shared>>) target_semaphore(%run_scoped3A : memref<!tpu.dma_semaphore, #tpu.memory_space<semaphore_mem>>)
        tpu.wait_dma2 semaphore(%run_scoped3A : memref<!tpu.dma_semaphore, #tpu.memory_space<semaphore_mem>>) src(%arg5 : memref<10001xf32, #tpu.memory_space<hbm>>) dst(%arg11 : memref<10001xf32, #tpu.memory_space<vmem_shared>>)
        tpu.yield
      }) : () -> ()
    } else {
    }
    %eq3A_3 = arith.constant 1 : i32
    %eq3A_4 = arith.cmpi eq, %arg1, %eq3A_3 : i32
    %convert_element_type3A_5 = arith.extui %eq3A_4 : i1 to i32
    %cond3A_6 = arith.constant 0 : i32
    %cond3A_7 = arith.cmpi ne, %convert_element_type3A_5, %cond3A_6 : i32
    scf.if %cond3A_7 {
      "tpu.region"() ({
        %run_scoped3A = tpu.sem_alloc : memref<!tpu.dma_semaphore, #tpu.memory_space<semaphore_mem>>
        tpu.enqueue_dma source(%arg4 : memref<10001xf32, #tpu.memory_space<hbm>>) target(%arg10 : memref<10001xf32, #tpu.memory_space<vmem_shared>>) target_semaphore(%run_scoped3A : memref<!tpu.dma_semaphore, #tpu.memory_space<semaphore_mem>>)
        tpu.wait_dma2 semaphore(%run_scoped3A : memref<!tpu.dma_semaphore, #tpu.memory_space<semaphore_mem>>) src(%arg4 : memref<10001xf32, #tpu.memory_space<hbm>>) dst(%arg10 : memref<10001xf32, #tpu.memory_space<vmem_shared>>)
        tpu.yield
      }) : () -> ()
    } else {
    }
    %barrier3A = arith.constant 0 : index
    tpu.barrier barrier_id(%barrier3A)
    "tpu.region"() ({
      %run_scoped3A = tpu.sem_alloc : memref<!tpu.dma_semaphore, #tpu.memory_space<semaphore_mem>>
      %dma_start3A_44 = arith.constant 0 : i32
      %dma_start3A_45 = arith.constant 0 : i32
      %dma_start3A_46 = tpu.memref_slice %arg2[%add3A, %dma_start3A_44, %dma_start3A_45] : memref<32x79x128xi32, #tpu.memory_space<hbm>> -> memref<1x79x128xi32, #tpu.memory_space<hbm>>
      %dma_start3A_47 = tpu.memref_squeeze %dma_start3A_46 : memref<1x79x128xi32, #tpu.memory_space<hbm>> -> memref<79x128xi32, #tpu.memory_space<hbm>>
      %dma_start3A_48 = arith.constant 0 : i32
      %dma_start3A_49 = arith.constant 0 : i32
      %dma_start3A_50 = tpu.memref_slice %arg2[%add3A, %dma_start3A_48, %dma_start3A_49] : memref<32x79x128xi32, #tpu.memory_space<hbm>> -> memref<1x79x128xi32, #tpu.memory_space<hbm>>
      %dma_start3A_51 = tpu.memref_squeeze %dma_start3A_50 : memref<1x79x128xi32, #tpu.memory_space<hbm>> -> memref<79x128xi32, #tpu.memory_space<hbm>>
      tpu.enqueue_dma source(%dma_start3A_51 : memref<79x128xi32, #tpu.memory_space<hbm>>) target(%arg7 : memref<79x128xi32, #tpu.memory_space<vmem>>) target_semaphore(%run_scoped3A : memref<!tpu.dma_semaphore, #tpu.memory_space<semaphore_mem>>)
      %dma_wait3A_52 = arith.constant 0 : i32
      %dma_wait3A_53 = arith.constant 0 : i32
      %dma_wait3A_54 = tpu.memref_slice %arg2[%add3A, %dma_wait3A_52, %dma_wait3A_53] : memref<32x79x128xi32, #tpu.memory_space<hbm>> -> memref<1x79x128xi32, #tpu.memory_space<hbm>>
      %dma_wait3A_55 = tpu.memref_squeeze %dma_wait3A_54 : memref<1x79x128xi32, #tpu.memory_space<hbm>> -> memref<79x128xi32, #tpu.memory_space<hbm>>
      %dma_wait3A_56 = arith.constant 0 : i32
      %dma_wait3A_57 = arith.constant 0 : i32
      %dma_wait3A_58 = tpu.memref_slice %arg2[%add3A, %dma_wait3A_56, %dma_wait3A_57] : memref<32x79x128xi32, #tpu.memory_space<hbm>> -> memref<1x79x128xi32, #tpu.memory_space<hbm>>
      %dma_wait3A_59 = tpu.memref_squeeze %dma_wait3A_58 : memref<1x79x128xi32, #tpu.memory_space<hbm>> -> memref<79x128xi32, #tpu.memory_space<hbm>>
      tpu.wait_dma2 semaphore(%run_scoped3A : memref<!tpu.dma_semaphore, #tpu.memory_space<semaphore_mem>>) src(%dma_wait3A_59 : memref<79x128xi32, #tpu.memory_space<hbm>>) dst(%arg7 : memref<79x128xi32, #tpu.memory_space<vmem>>)
      tpu.yield
    }) : () -> ()
    "tpu.region"() ({
      %run_scoped3A = tpu.sem_alloc : memref<!tpu.dma_semaphore, #tpu.memory_space<semaphore_mem>>
      %dma_start3A_44 = arith.constant 0 : i32
      %dma_start3A_45 = arith.constant 0 : i32
      %dma_start3A_46 = tpu.memref_slice %arg3[%add3A, %dma_start3A_44, %dma_start3A_45] : memref<32x79x128xi32, #tpu.memory_space<hbm>> -> memref<1x79x128xi32, #tpu.memory_space<hbm>>
      %dma_start3A_47 = tpu.memref_squeeze %dma_start3A_46 : memref<1x79x128xi32, #tpu.memory_space<hbm>> -> memref<79x128xi32, #tpu.memory_space<hbm>>
      %dma_start3A_48 = arith.constant 0 : i32
      %dma_start3A_49 = arith.constant 0 : i32
      %dma_start3A_50 = tpu.memref_slice %arg3[%add3A, %dma_start3A_48, %dma_start3A_49] : memref<32x79x128xi32, #tpu.memory_space<hbm>> -> memref<1x79x128xi32, #tpu.memory_space<hbm>>
      %dma_start3A_51 = tpu.memref_squeeze %dma_start3A_50 : memref<1x79x128xi32, #tpu.memory_space<hbm>> -> memref<79x128xi32, #tpu.memory_space<hbm>>
      tpu.enqueue_dma source(%dma_start3A_51 : memref<79x128xi32, #tpu.memory_space<hbm>>) target(%arg8 : memref<79x128xi32, #tpu.memory_space<vmem>>) target_semaphore(%run_scoped3A : memref<!tpu.dma_semaphore, #tpu.memory_space<semaphore_mem>>)
      %dma_wait3A_52 = arith.constant 0 : i32
      %dma_wait3A_53 = arith.constant 0 : i32
      %dma_wait3A_54 = tpu.memref_slice %arg3[%add3A, %dma_wait3A_52, %dma_wait3A_53] : memref<32x79x128xi32, #tpu.memory_space<hbm>> -> memref<1x79x128xi32, #tpu.memory_space<hbm>>
      %dma_wait3A_55 = tpu.memref_squeeze %dma_wait3A_54 : memref<1x79x128xi32, #tpu.memory_space<hbm>> -> memref<79x128xi32, #tpu.memory_space<hbm>>
      %dma_wait3A_56 = arith.constant 0 : i32
      %dma_wait3A_57 = arith.constant 0 : i32
      %dma_wait3A_58 = tpu.memref_slice %arg3[%add3A, %dma_wait3A_56, %dma_wait3A_57] : memref<32x79x128xi32, #tpu.memory_space<hbm>> -> memref<1x79x128xi32, #tpu.memory_space<hbm>>
      %dma_wait3A_59 = tpu.memref_squeeze %dma_wait3A_58 : memref<1x79x128xi32, #tpu.memory_space<hbm>> -> memref<79x128xi32, #tpu.memory_space<hbm>>
      tpu.wait_dma2 semaphore(%run_scoped3A : memref<!tpu.dma_semaphore, #tpu.memory_space<semaphore_mem>>) src(%dma_wait3A_59 : memref<79x128xi32, #tpu.memory_space<hbm>>) dst(%arg8 : memref<79x128xi32, #tpu.memory_space<vmem>>)
      tpu.yield
    }) : () -> ()
    %dma_start3A = arith.constant 0 : i32
    %dma_start3A_8 = arith.constant 0 : i32
    %dma_start3A_9 = arith.constant 0 : i32
    %dma_start3A_10 = arith.constant 0 : i32
    %dma_start3A_11 = tpu.memref_slice %arg9[%dma_start3A_8, %dma_start3A_10] : memref<2x128xf32, #tpu.memory_space<vmem>> -> memref<1x128xf32, #tpu.memory_space<vmem>>
    %dma_start3A_12 = tpu.memref_squeeze %dma_start3A_11 : memref<1x128xf32, #tpu.memory_space<vmem>> -> memref<128xf32, #tpu.memory_space<vmem>>
    %dma_start3A_13 = arith.constant 0 : i32
    %dma_start3A_14 = tpu.memref_slice %arg7[%dma_start3A, %dma_start3A_13] : memref<79x128xi32, #tpu.memory_space<vmem>> -> memref<1x128xi32, #tpu.memory_space<vmem>>
    %dma_start3A_15 = tpu.memref_squeeze %dma_start3A_14 : memref<1x128xi32, #tpu.memory_space<vmem>> -> memref<128xi32, #tpu.memory_space<vmem>>
    %dma_start3A_16 = arith.constant 0 : i32
    %dma_start3A_17 = tpu.memref_slice %arg10[%dma_start3A_16] : memref<10001xf32, #tpu.memory_space<vmem_shared>> -> memref<10001xf32, #tpu.memory_space<vmem_shared>>
    %dma_start3A_18 = tpu.memref_slice %arg12[%dma_start3A_9] : memref<2x!tpu.dma_semaphore, #tpu.memory_space<semaphore_mem>> -> memref<1x!tpu.dma_semaphore, #tpu.memory_space<semaphore_mem>>
    %dma_start3A_19 = tpu.memref_squeeze %dma_start3A_18 : memref<1x!tpu.dma_semaphore, #tpu.memory_space<semaphore_mem>> -> memref<!tpu.dma_semaphore, #tpu.memory_space<semaphore_mem>>
    tpu.enqueue_indirect_dma source(%dma_start3A_17 : memref<10001xf32, #tpu.memory_space<vmem_shared>>) target(%dma_start3A_12 : memref<128xf32, #tpu.memory_space<vmem>>) offsets(%dma_start3A_15 : memref<128xi32, #tpu.memory_space<vmem>>) semaphore(%dma_start3A_19 : memref<!tpu.dma_semaphore, #tpu.memory_space<semaphore_mem>>)
    %scan3A = arith.constant 0 : i32
    %scan3A_20 = arith.constant 0 : i32
    %scan3A_21 = arith.constant 79 : i32
    %scan3A_22 = arith.addi %scan3A_20, %scan3A_21 : i32
    %scan3A_23 = arith.constant 1 : i32
    scf.for %scan3A_44 = %scan3A_20 to %scan3A_22 step %scan3A_23  : i32 {
      %jit3A = arith.constant 2 : i32
      %eq3A_45 = arith.constant 0 : i32
      %eq3A_46 = arith.cmpi eq, %jit3A, %eq3A_45 : i32
      %jit3A_47 = arith.constant 1 : i32
      %select_n3A = arith.select %eq3A_46, %jit3A_47, %jit3A : i32
      %rem3A = arith.remsi %scan3A_44, %select_n3A : i32
      %ne3A = arith.constant 0 : i32
      %ne3A_48 = arith.cmpi ne, %rem3A, %ne3A : i32
      %lt3A = arith.constant 0 : i32
      %lt3A_49 = arith.cmpi slt, %rem3A, %lt3A : i32
      %lt3A_50 = arith.constant 0 : i32
      %lt3A_51 = arith.cmpi slt, %select_n3A, %lt3A_50 : i32
      %ne3A_52 = arith.xori %lt3A_49, %lt3A_51 : i1
      %and3A = arith.andi %ne3A_52, %ne3A_48 : i1
      %add3A_53 = arith.addi %rem3A, %select_n3A : i32
      %select_n3A_54 = arith.select %and3A, %add3A_53, %rem3A : i32
      %add3A_55 = arith.constant 1 : i32
      %add3A_56 = arith.addi %scan3A_44, %add3A_55 : i32
      %jit3A_57 = arith.constant 2 : i32
      %eq3A_58 = arith.constant 0 : i32
      %eq3A_59 = arith.cmpi eq, %jit3A_57, %eq3A_58 : i32
      %jit3A_60 = arith.constant 1 : i32
      %select_n3A_61 = arith.select %eq3A_59, %jit3A_60, %jit3A_57 : i32
      %rem3A_62 = arith.remsi %add3A_56, %select_n3A_61 : i32
      %ne3A_63 = arith.constant 0 : i32
      %ne3A_64 = arith.cmpi ne, %rem3A_62, %ne3A_63 : i32
      %lt3A_65 = arith.constant 0 : i32
      %lt3A_66 = arith.cmpi slt, %rem3A_62, %lt3A_65 : i32
      %lt3A_67 = arith.constant 0 : i32
      %lt3A_68 = arith.cmpi slt, %select_n3A_61, %lt3A_67 : i32
      %ne3A_69 = arith.xori %lt3A_66, %lt3A_68 : i1
      %and3A_70 = arith.andi %ne3A_69, %ne3A_64 : i1
      %add3A_71 = arith.addi %rem3A_62, %select_n3A_61 : i32
      %select_n3A_72 = arith.select %and3A_70, %add3A_71, %rem3A_62 : i32
      %ge3A = arith.constant 1 : i32
      %ge3A_73 = arith.cmpi sge, %scan3A_44, %ge3A : i32
      %convert_element_type3A_74 = arith.extui %ge3A_73 : i1 to i32
      %cond3A_75 = arith.constant 0 : i32
      %cond3A_76 = arith.cmpi ne, %convert_element_type3A_74, %cond3A_75 : i32
      scf.if %cond3A_76 {
        %dma_wait3A_106 = arith.constant 0 : i32
        %dma_wait3A_107 = tpu.memref_slice %arg9[%select_n3A_72, %dma_wait3A_106] : memref<2x128xf32, #tpu.memory_space<vmem>> -> memref<1x128xf32, #tpu.memory_space<vmem>>
        %dma_wait3A_108 = tpu.memref_squeeze %dma_wait3A_107 : memref<1x128xf32, #tpu.memory_space<vmem>> -> memref<128xf32, #tpu.memory_space<vmem>>
        %dma_wait3A_109 = arith.constant 0 : i32
        %dma_wait3A_110 = tpu.memref_slice %arg4[%dma_wait3A_109] : memref<10001xf32, #tpu.memory_space<hbm>> -> memref<128xf32, #tpu.memory_space<hbm>>
        %dma_wait3A_111 = tpu.memref_slice %arg13[%select_n3A_72] : memref<2x!tpu.dma_semaphore, #tpu.memory_space<semaphore_mem>> -> memref<1x!tpu.dma_semaphore, #tpu.memory_space<semaphore_mem>>
        %dma_wait3A_112 = tpu.memref_squeeze %dma_wait3A_111 : memref<1x!tpu.dma_semaphore, #tpu.memory_space<semaphore_mem>> -> memref<!tpu.dma_semaphore, #tpu.memory_space<semaphore_mem>>
        %dma_wait3A_113 = arith.constant 0 : i32
        %dma_wait3A_114 = tpu.memref_slice %arg9[%select_n3A_72, %dma_wait3A_113] : memref<2x128xf32, #tpu.memory_space<vmem>> -> memref<1x128xf32, #tpu.memory_space<vmem>>
        %dma_wait3A_115 = tpu.memref_squeeze %dma_wait3A_114 : memref<1x128xf32, #tpu.memory_space<vmem>> -> memref<128xf32, #tpu.memory_space<vmem>>
        %dma_wait3A_116 = arith.constant 0 : i32
        %dma_wait3A_117 = tpu.memref_slice %arg4[%dma_wait3A_116] : memref<10001xf32, #tpu.memory_space<hbm>> -> memref<128xf32, #tpu.memory_space<hbm>>
        tpu.wait_dma2 semaphore(%dma_wait3A_112 : memref<!tpu.dma_semaphore, #tpu.memory_space<semaphore_mem>>) src(%dma_wait3A_117 : memref<128xf32, #tpu.memory_space<hbm>>) dst(%dma_wait3A_115 : memref<128xf32, #tpu.memory_space<vmem>>)
      } else {
      }
      %add3A_77 = arith.constant 1 : i32
      %add3A_78 = arith.addi %scan3A_44, %add3A_77 : i32
      %lt3A_79 = arith.constant 79 : i32
      %lt3A_80 = arith.cmpi slt, %add3A_78, %lt3A_79 : i32
      %convert_element_type3A_81 = arith.extui %lt3A_80 : i1 to i32
      %cond3A_82 = arith.constant 0 : i32
      %cond3A_83 = arith.cmpi ne, %convert_element_type3A_81, %cond3A_82 : i32
      scf.if %cond3A_83 {
        %add3A_106 = arith.constant 1 : i32
        %add3A_107 = arith.addi %scan3A_44, %add3A_106 : i32
        %dma_start3A_108 = arith.constant 0 : i32
        %dma_start3A_109 = tpu.memref_slice %arg9[%select_n3A_72, %dma_start3A_108] : memref<2x128xf32, #tpu.memory_space<vmem>> -> memref<1x128xf32, #tpu.memory_space<vmem>>
        %dma_start3A_110 = tpu.memref_squeeze %dma_start3A_109 : memref<1x128xf32, #tpu.memory_space<vmem>> -> memref<128xf32, #tpu.memory_space<vmem>>
        %dma_start3A_111 = arith.constant 0 : i32
        %dma_start3A_112 = tpu.memref_slice %arg7[%add3A_107, %dma_start3A_111] : memref<79x128xi32, #tpu.memory_space<vmem>> -> memref<1x128xi32, #tpu.memory_space<vmem>>
        %dma_start3A_113 = tpu.memref_squeeze %dma_start3A_112 : memref<1x128xi32, #tpu.memory_space<vmem>> -> memref<128xi32, #tpu.memory_space<vmem>>
        %dma_start3A_114 = arith.constant 0 : i32
        %dma_start3A_115 = tpu.memref_slice %arg10[%dma_start3A_114] : memref<10001xf32, #tpu.memory_space<vmem_shared>> -> memref<10001xf32, #tpu.memory_space<vmem_shared>>
        %dma_start3A_116 = tpu.memref_slice %arg12[%select_n3A_72] : memref<2x!tpu.dma_semaphore, #tpu.memory_space<semaphore_mem>> -> memref<1x!tpu.dma_semaphore, #tpu.memory_space<semaphore_mem>>
        %dma_start3A_117 = tpu.memref_squeeze %dma_start3A_116 : memref<1x!tpu.dma_semaphore, #tpu.memory_space<semaphore_mem>> -> memref<!tpu.dma_semaphore, #tpu.memory_space<semaphore_mem>>
        tpu.enqueue_indirect_dma source(%dma_start3A_115 : memref<10001xf32, #tpu.memory_space<vmem_shared>>) target(%dma_start3A_110 : memref<128xf32, #tpu.memory_space<vmem>>) offsets(%dma_start3A_113 : memref<128xi32, #tpu.memory_space<vmem>>) semaphore(%dma_start3A_117 : memref<!tpu.dma_semaphore, #tpu.memory_space<semaphore_mem>>)
      } else {
      }
      %dma_wait3A_84 = arith.constant 0 : i32
      %dma_wait3A_85 = tpu.memref_slice %arg9[%select_n3A_54, %dma_wait3A_84] : memref<2x128xf32, #tpu.memory_space<vmem>> -> memref<1x128xf32, #tpu.memory_space<vmem>>
      %dma_wait3A_86 = tpu.memref_squeeze %dma_wait3A_85 : memref<1x128xf32, #tpu.memory_space<vmem>> -> memref<128xf32, #tpu.memory_space<vmem>>
      %dma_wait3A_87 = arith.constant 0 : i32
      %dma_wait3A_88 = tpu.memref_slice %arg4[%dma_wait3A_87] : memref<10001xf32, #tpu.memory_space<hbm>> -> memref<128xf32, #tpu.memory_space<hbm>>
      %dma_wait3A_89 = tpu.memref_slice %arg12[%select_n3A_54] : memref<2x!tpu.dma_semaphore, #tpu.memory_space<semaphore_mem>> -> memref<1x!tpu.dma_semaphore, #tpu.memory_space<semaphore_mem>>
      %dma_wait3A_90 = tpu.memref_squeeze %dma_wait3A_89 : memref<1x!tpu.dma_semaphore, #tpu.memory_space<semaphore_mem>> -> memref<!tpu.dma_semaphore, #tpu.memory_space<semaphore_mem>>
      %dma_wait3A_91 = arith.constant 0 : i32
      %dma_wait3A_92 = tpu.memref_slice %arg9[%select_n3A_54, %dma_wait3A_91] : memref<2x128xf32, #tpu.memory_space<vmem>> -> memref<1x128xf32, #tpu.memory_space<vmem>>
      %dma_wait3A_93 = tpu.memref_squeeze %dma_wait3A_92 : memref<1x128xf32, #tpu.memory_space<vmem>> -> memref<128xf32, #tpu.memory_space<vmem>>
      %dma_wait3A_94 = arith.constant 0 : i32
      %dma_wait3A_95 = tpu.memref_slice %arg4[%dma_wait3A_94] : memref<10001xf32, #tpu.memory_space<hbm>> -> memref<128xf32, #tpu.memory_space<hbm>>
      tpu.wait_dma2 semaphore(%dma_wait3A_90 : memref<!tpu.dma_semaphore, #tpu.memory_space<semaphore_mem>>) src(%dma_wait3A_95 : memref<128xf32, #tpu.memory_space<hbm>>) dst(%dma_wait3A_93 : memref<128xf32, #tpu.memory_space<vmem>>)
      %dma_start3A_96 = arith.constant 0 : i32
      %dma_start3A_97 = tpu.memref_slice %arg9[%select_n3A_54, %dma_start3A_96] : memref<2x128xf32, #tpu.memory_space<vmem>> -> memref<1x128xf32, #tpu.memory_space<vmem>>
      %dma_start3A_98 = tpu.memref_squeeze %dma_start3A_97 : memref<1x128xf32, #tpu.memory_space<vmem>> -> memref<128xf32, #tpu.memory_space<vmem>>
      %dma_start3A_99 = arith.constant 0 : i32
      %dma_start3A_100 = tpu.memref_slice %arg8[%scan3A_44, %dma_start3A_99] : memref<79x128xi32, #tpu.memory_space<vmem>> -> memref<1x128xi32, #tpu.memory_space<vmem>>
      %dma_start3A_101 = tpu.memref_squeeze %dma_start3A_100 : memref<1x128xi32, #tpu.memory_space<vmem>> -> memref<128xi32, #tpu.memory_space<vmem>>
      %dma_start3A_102 = arith.constant 0 : i32
      %dma_start3A_103 = tpu.memref_slice %arg11[%dma_start3A_102] : memref<10001xf32, #tpu.memory_space<vmem_shared>> -> memref<10001xf32, #tpu.memory_space<vmem_shared>>
      %dma_start3A_104 = tpu.memref_slice %arg13[%select_n3A_54] : memref<2x!tpu.dma_semaphore, #tpu.memory_space<semaphore_mem>> -> memref<1x!tpu.dma_semaphore, #tpu.memory_space<semaphore_mem>>
      %dma_start3A_105 = tpu.memref_squeeze %dma_start3A_104 : memref<1x!tpu.dma_semaphore, #tpu.memory_space<semaphore_mem>> -> memref<!tpu.dma_semaphore, #tpu.memory_space<semaphore_mem>>
      tpu.enqueue_indirect_dma source(%dma_start3A_98 : memref<128xf32, #tpu.memory_space<vmem>>) target(%dma_start3A_103 : memref<10001xf32, #tpu.memory_space<vmem_shared>>) offsets(%dma_start3A_101 : memref<128xi32, #tpu.memory_space<vmem>>) semaphore(%dma_start3A_105 : memref<!tpu.dma_semaphore, #tpu.memory_space<semaphore_mem>>) {add = true}
    }
    %scan3A_24 = arith.constant 79 : i32
    %dma_wait3A = arith.constant 0 : i32
    %dma_wait3A_25 = arith.constant 0 : i32
    %dma_wait3A_26 = arith.constant 0 : i32
    %dma_wait3A_27 = tpu.memref_slice %arg9[%dma_wait3A, %dma_wait3A_26] : memref<2x128xf32, #tpu.memory_space<vmem>> -> memref<1x128xf32, #tpu.memory_space<vmem>>
    %dma_wait3A_28 = tpu.memref_squeeze %dma_wait3A_27 : memref<1x128xf32, #tpu.memory_space<vmem>> -> memref<128xf32, #tpu.memory_space<vmem>>
    %dma_wait3A_29 = arith.constant 0 : i32
    %dma_wait3A_30 = tpu.memref_slice %arg4[%dma_wait3A_29] : memref<10001xf32, #tpu.memory_space<hbm>> -> memref<128xf32, #tpu.memory_space<hbm>>
    %dma_wait3A_31 = tpu.memref_slice %arg13[%dma_wait3A_25] : memref<2x!tpu.dma_semaphore, #tpu.memory_space<semaphore_mem>> -> memref<1x!tpu.dma_semaphore, #tpu.memory_space<semaphore_mem>>
    %dma_wait3A_32 = tpu.memref_squeeze %dma_wait3A_31 : memref<1x!tpu.dma_semaphore, #tpu.memory_space<semaphore_mem>> -> memref<!tpu.dma_semaphore, #tpu.memory_space<semaphore_mem>>
    %dma_wait3A_33 = arith.constant 0 : i32
    %dma_wait3A_34 = tpu.memref_slice %arg9[%dma_wait3A, %dma_wait3A_33] : memref<2x128xf32, #tpu.memory_space<vmem>> -> memref<1x128xf32, #tpu.memory_space<vmem>>
    %dma_wait3A_35 = tpu.memref_squeeze %dma_wait3A_34 : memref<1x128xf32, #tpu.memory_space<vmem>> -> memref<128xf32, #tpu.memory_space<vmem>>
    %dma_wait3A_36 = arith.constant 0 : i32
    %dma_wait3A_37 = tpu.memref_slice %arg4[%dma_wait3A_36] : memref<10001xf32, #tpu.memory_space<hbm>> -> memref<128xf32, #tpu.memory_space<hbm>>
    tpu.wait_dma2 semaphore(%dma_wait3A_32 : memref<!tpu.dma_semaphore, #tpu.memory_space<semaphore_mem>>) src(%dma_wait3A_37 : memref<128xf32, #tpu.memory_space<hbm>>) dst(%dma_wait3A_35 : memref<128xf32, #tpu.memory_space<vmem>>)
    %barrier3A_38 = arith.constant 0 : index
    tpu.barrier barrier_id(%barrier3A_38)
    %eq3A_39 = arith.constant 0 : i32
    %eq3A_40 = arith.cmpi eq, %arg1, %eq3A_39 : i32
    %convert_element_type3A_41 = arith.extui %eq3A_40 : i1 to i32
    %cond3A_42 = arith.constant 0 : i32
    %cond3A_43 = arith.cmpi ne, %convert_element_type3A_41, %cond3A_42 : i32
    scf.if %cond3A_43 {
      "tpu.region"() ({
        %run_scoped3A = tpu.sem_alloc : memref<!tpu.dma_semaphore, #tpu.memory_space<semaphore_mem>>
        %dma_start3A_44 = arith.constant 0 : i32
        %dma_start3A_45 = tpu.memref_slice %arg6[%arg0, %dma_start3A_44] : memref<2x10001xf32, #tpu.memory_space<hbm>> -> memref<1x10001xf32, #tpu.memory_space<hbm>>
        %dma_start3A_46 = tpu.memref_squeeze %dma_start3A_45 : memref<1x10001xf32, #tpu.memory_space<hbm>> -> memref<10001xf32, #tpu.memory_space<hbm>>
        tpu.enqueue_dma source(%arg11 : memref<10001xf32, #tpu.memory_space<vmem_shared>>) target(%dma_start3A_46 : memref<10001xf32, #tpu.memory_space<hbm>>) target_semaphore(%run_scoped3A : memref<!tpu.dma_semaphore, #tpu.memory_space<semaphore_mem>>)
        %dma_wait3A_47 = arith.constant 0 : i32
        %dma_wait3A_48 = tpu.memref_slice %arg6[%arg0, %dma_wait3A_47] : memref<2x10001xf32, #tpu.memory_space<hbm>> -> memref<1x10001xf32, #tpu.memory_space<hbm>>
        %dma_wait3A_49 = tpu.memref_squeeze %dma_wait3A_48 : memref<1x10001xf32, #tpu.memory_space<hbm>> -> memref<10001xf32, #tpu.memory_space<hbm>>
        tpu.wait_dma2 semaphore(%run_scoped3A : memref<!tpu.dma_semaphore, #tpu.memory_space<semaphore_mem>>) src(%arg11 : memref<10001xf32, #tpu.memory_space<vmem_shared>>) dst(%dma_wait3A_49 : memref<10001xf32, #tpu.memory_space<hbm>>)
        tpu.yield
      }) : () -> ()
    } else {
    }
    return
  }
}

#map = affine_map<(d0, d1) -> (0, 0, 0)>
#map1 = affine_map<(d0, d1) -> (0)>
module attributes {stable_mosaic.version = 14 : i64} {
  func.func @deg_kernel(%arg0: i32, %arg1: i32, %arg2: memref<32x79x128xi32, #tpu.memory_space<hbm>>, %arg3: memref<32x79x128xi32, #tpu.memory_space<hbm>>, %arg4: memref<10001xf32, #tpu.memory_space<hbm>>, %arg5: memref<2x2x10001xf32, #tpu.memory_space<hbm>>, %arg6: memref<79x128xi32, #tpu.memory_space<vmem>>, %arg7: memref<79x128xi32, #tpu.memory_space<vmem>>, %arg8: memref<128xf32, #tpu.memory_space<vmem>>, %arg9: memref<10001xf32, #tpu.memory_space<vmem_shared>>, %arg10: memref<10001xf32, #tpu.memory_space<vmem_shared>>, %arg11: memref<!tpu.dma_semaphore, #tpu.memory_space<semaphore_mem>>, %arg12: memref<!tpu.dma_semaphore, #tpu.memory_space<semaphore_mem>>) attributes {dimension_semantics = [#tpu.dimension_semantics<core_parallel>, #tpu.dimension_semantics<subcore_parallel>], iteration_bounds = array<i64: 2, 16>, scalar_prefetch = 0 : i64, scratch_operands = 7 : i64, tpu.core_type = #tpu.core_type<sc_vector_subcore>, window_params = [{transform_indices = #map}, {transform_indices = #map}, {transform_indices = #map1}, {transform_indices = #map}]} {
    %mul3A = arith.constant 2 : i32
    %mul3A_0 = arith.muli %arg1, %mul3A : i32
    %add3A = arith.addi %mul3A_0, %arg0 : i32
    %broadcast_in_dim3A = arith.constant 1.000000e+00 : f32
    %broadcast_in_dim3A_1 = vector.broadcast %broadcast_in_dim3A : f32 to vector<16xf32>
    %swap3A = arith.constant 0 : index
    %swap3A_2 = tpu.vector_load %arg8[%swap3A] {strides = array<i32>} : memref<128xf32, #tpu.memory_space<vmem>>, vector<16xf32>,
    tpu.vector_store %arg8[%swap3A], %broadcast_in_dim3A_1 {strides = array<i32>} : memref<128xf32, #tpu.memory_space<vmem>>, vector<16xf32>,
    %broadcast_in_dim3A_3 = arith.constant 1.000000e+00 : f32
    %broadcast_in_dim3A_4 = vector.broadcast %broadcast_in_dim3A_3 : f32 to vector<16xf32>
    %swap3A_5 = arith.constant 16 : index
    %swap3A_6 = tpu.vector_load %arg8[%swap3A_5] {strides = array<i32>} : memref<128xf32, #tpu.memory_space<vmem>>, vector<16xf32>,
    tpu.vector_store %arg8[%swap3A_5], %broadcast_in_dim3A_4 {strides = array<i32>} : memref<128xf32, #tpu.memory_space<vmem>>, vector<16xf32>,
    %broadcast_in_dim3A_7 = arith.constant 1.000000e+00 : f32
    %broadcast_in_dim3A_8 = vector.broadcast %broadcast_in_dim3A_7 : f32 to vector<16xf32>
    %swap3A_9 = arith.constant 32 : index
    %swap3A_10 = tpu.vector_load %arg8[%swap3A_9] {strides = array<i32>} : memref<128xf32, #tpu.memory_space<vmem>>, vector<16xf32>,
    tpu.vector_store %arg8[%swap3A_9], %broadcast_in_dim3A_8 {strides = array<i32>} : memref<128xf32, #tpu.memory_space<vmem>>, vector<16xf32>,
    %broadcast_in_dim3A_11 = arith.constant 1.000000e+00 : f32
    %broadcast_in_dim3A_12 = vector.broadcast %broadcast_in_dim3A_11 : f32 to vector<16xf32>
    %swap3A_13 = arith.constant 48 : index
    %swap3A_14 = tpu.vector_load %arg8[%swap3A_13] {strides = array<i32>} : memref<128xf32, #tpu.memory_space<vmem>>, vector<16xf32>,
    tpu.vector_store %arg8[%swap3A_13], %broadcast_in_dim3A_12 {strides = array<i32>} : memref<128xf32, #tpu.memory_space<vmem>>, vector<16xf32>,
    %broadcast_in_dim3A_15 = arith.constant 1.000000e+00 : f32
    %broadcast_in_dim3A_16 = vector.broadcast %broadcast_in_dim3A_15 : f32 to vector<16xf32>
    %swap3A_17 = arith.constant 64 : index
    %swap3A_18 = tpu.vector_load %arg8[%swap3A_17] {strides = array<i32>} : memref<128xf32, #tpu.memory_space<vmem>>, vector<16xf32>,
    tpu.vector_store %arg8[%swap3A_17], %broadcast_in_dim3A_16 {strides = array<i32>} : memref<128xf32, #tpu.memory_space<vmem>>, vector<16xf32>,
    %broadcast_in_dim3A_19 = arith.constant 1.000000e+00 : f32
    %broadcast_in_dim3A_20 = vector.broadcast %broadcast_in_dim3A_19 : f32 to vector<16xf32>
    %swap3A_21 = arith.constant 80 : index
    %swap3A_22 = tpu.vector_load %arg8[%swap3A_21] {strides = array<i32>} : memref<128xf32, #tpu.memory_space<vmem>>, vector<16xf32>,
    tpu.vector_store %arg8[%swap3A_21], %broadcast_in_dim3A_20 {strides = array<i32>} : memref<128xf32, #tpu.memory_space<vmem>>, vector<16xf32>,
    %broadcast_in_dim3A_23 = arith.constant 1.000000e+00 : f32
    %broadcast_in_dim3A_24 = vector.broadcast %broadcast_in_dim3A_23 : f32 to vector<16xf32>
    %swap3A_25 = arith.constant 96 : index
    %swap3A_26 = tpu.vector_load %arg8[%swap3A_25] {strides = array<i32>} : memref<128xf32, #tpu.memory_space<vmem>>, vector<16xf32>,
    tpu.vector_store %arg8[%swap3A_25], %broadcast_in_dim3A_24 {strides = array<i32>} : memref<128xf32, #tpu.memory_space<vmem>>, vector<16xf32>,
    %broadcast_in_dim3A_27 = arith.constant 1.000000e+00 : f32
    %broadcast_in_dim3A_28 = vector.broadcast %broadcast_in_dim3A_27 : f32 to vector<16xf32>
    %swap3A_29 = arith.constant 112 : index
    %swap3A_30 = tpu.vector_load %arg8[%swap3A_29] {strides = array<i32>} : memref<128xf32, #tpu.memory_space<vmem>>, vector<16xf32>,
    tpu.vector_store %arg8[%swap3A_29], %broadcast_in_dim3A_28 {strides = array<i32>} : memref<128xf32, #tpu.memory_space<vmem>>, vector<16xf32>,
    %eq3A = arith.constant 0 : i32
    %eq3A_31 = arith.cmpi eq, %arg1, %eq3A : i32
    %convert_element_type3A = arith.extui %eq3A_31 : i1 to i32
    %cond3A = arith.constant 0 : i32
    %cond3A_32 = arith.cmpi ne, %convert_element_type3A, %cond3A : i32
    scf.if %cond3A_32 {
      "tpu.region"() ({
        %run_scoped3A = tpu.sem_alloc : memref<!tpu.dma_semaphore, #tpu.memory_space<semaphore_mem>>
        tpu.enqueue_dma source(%arg4 : memref<10001xf32, #tpu.memory_space<hbm>>) target(%arg9 : memref<10001xf32, #tpu.memory_space<vmem_shared>>) target_semaphore(%run_scoped3A : memref<!tpu.dma_semaphore, #tpu.memory_space<semaphore_mem>>)
        tpu.wait_dma2 semaphore(%run_scoped3A : memref<!tpu.dma_semaphore, #tpu.memory_space<semaphore_mem>>) src(%arg4 : memref<10001xf32, #tpu.memory_space<hbm>>) dst(%arg9 : memref<10001xf32, #tpu.memory_space<vmem_shared>>)
        tpu.yield
      }) : () -> ()
      "tpu.region"() ({
        %run_scoped3A = tpu.sem_alloc : memref<!tpu.dma_semaphore, #tpu.memory_space<semaphore_mem>>
        tpu.enqueue_dma source(%arg4 : memref<10001xf32, #tpu.memory_space<hbm>>) target(%arg10 : memref<10001xf32, #tpu.memory_space<vmem_shared>>) target_semaphore(%run_scoped3A : memref<!tpu.dma_semaphore, #tpu.memory_space<semaphore_mem>>)
        tpu.wait_dma2 semaphore(%run_scoped3A : memref<!tpu.dma_semaphore, #tpu.memory_space<semaphore_mem>>) src(%arg4 : memref<10001xf32, #tpu.memory_space<hbm>>) dst(%arg10 : memref<10001xf32, #tpu.memory_space<vmem_shared>>)
        tpu.yield
      }) : () -> ()
    } else {
    }
    %barrier3A = arith.constant 0 : index
    tpu.barrier barrier_id(%barrier3A)
    "tpu.region"() ({
      %run_scoped3A = tpu.sem_alloc : memref<!tpu.dma_semaphore, #tpu.memory_space<semaphore_mem>>
      %dma_start3A = arith.constant 0 : i32
      %dma_start3A_50 = arith.constant 0 : i32
      %dma_start3A_51 = tpu.memref_slice %arg2[%add3A, %dma_start3A, %dma_start3A_50] : memref<32x79x128xi32, #tpu.memory_space<hbm>> -> memref<1x79x128xi32, #tpu.memory_space<hbm>>
      %dma_start3A_52 = tpu.memref_squeeze %dma_start3A_51 : memref<1x79x128xi32, #tpu.memory_space<hbm>> -> memref<79x128xi32, #tpu.memory_space<hbm>>
      %dma_start3A_53 = arith.constant 0 : i32
      %dma_start3A_54 = arith.constant 0 : i32
      %dma_start3A_55 = tpu.memref_slice %arg2[%add3A, %dma_start3A_53, %dma_start3A_54] : memref<32x79x128xi32, #tpu.memory_space<hbm>> -> memref<1x79x128xi32, #tpu.memory_space<hbm>>
      %dma_start3A_56 = tpu.memref_squeeze %dma_start3A_55 : memref<1x79x128xi32, #tpu.memory_space<hbm>> -> memref<79x128xi32, #tpu.memory_space<hbm>>
      tpu.enqueue_dma source(%dma_start3A_56 : memref<79x128xi32, #tpu.memory_space<hbm>>) target(%arg6 : memref<79x128xi32, #tpu.memory_space<vmem>>) target_semaphore(%run_scoped3A : memref<!tpu.dma_semaphore, #tpu.memory_space<semaphore_mem>>)
      %dma_wait3A = arith.constant 0 : i32
      %dma_wait3A_57 = arith.constant 0 : i32
      %dma_wait3A_58 = tpu.memref_slice %arg2[%add3A, %dma_wait3A, %dma_wait3A_57] : memref<32x79x128xi32, #tpu.memory_space<hbm>> -> memref<1x79x128xi32, #tpu.memory_space<hbm>>
      %dma_wait3A_59 = tpu.memref_squeeze %dma_wait3A_58 : memref<1x79x128xi32, #tpu.memory_space<hbm>> -> memref<79x128xi32, #tpu.memory_space<hbm>>
      %dma_wait3A_60 = arith.constant 0 : i32
      %dma_wait3A_61 = arith.constant 0 : i32
      %dma_wait3A_62 = tpu.memref_slice %arg2[%add3A, %dma_wait3A_60, %dma_wait3A_61] : memref<32x79x128xi32, #tpu.memory_space<hbm>> -> memref<1x79x128xi32, #tpu.memory_space<hbm>>
      %dma_wait3A_63 = tpu.memref_squeeze %dma_wait3A_62 : memref<1x79x128xi32, #tpu.memory_space<hbm>> -> memref<79x128xi32, #tpu.memory_space<hbm>>
      tpu.wait_dma2 semaphore(%run_scoped3A : memref<!tpu.dma_semaphore, #tpu.memory_space<semaphore_mem>>) src(%dma_wait3A_63 : memref<79x128xi32, #tpu.memory_space<hbm>>) dst(%arg6 : memref<79x128xi32, #tpu.memory_space<vmem>>)
      tpu.yield
    }) : () -> ()
    "tpu.region"() ({
      %run_scoped3A = tpu.sem_alloc : memref<!tpu.dma_semaphore, #tpu.memory_space<semaphore_mem>>
      %dma_start3A = arith.constant 0 : i32
      %dma_start3A_50 = arith.constant 0 : i32
      %dma_start3A_51 = tpu.memref_slice %arg3[%add3A, %dma_start3A, %dma_start3A_50] : memref<32x79x128xi32, #tpu.memory_space<hbm>> -> memref<1x79x128xi32, #tpu.memory_space<hbm>>
      %dma_start3A_52 = tpu.memref_squeeze %dma_start3A_51 : memref<1x79x128xi32, #tpu.memory_space<hbm>> -> memref<79x128xi32, #tpu.memory_space<hbm>>
      %dma_start3A_53 = arith.constant 0 : i32
      %dma_start3A_54 = arith.constant 0 : i32
      %dma_start3A_55 = tpu.memref_slice %arg3[%add3A, %dma_start3A_53, %dma_start3A_54] : memref<32x79x128xi32, #tpu.memory_space<hbm>> -> memref<1x79x128xi32, #tpu.memory_space<hbm>>
      %dma_start3A_56 = tpu.memref_squeeze %dma_start3A_55 : memref<1x79x128xi32, #tpu.memory_space<hbm>> -> memref<79x128xi32, #tpu.memory_space<hbm>>
      tpu.enqueue_dma source(%dma_start3A_56 : memref<79x128xi32, #tpu.memory_space<hbm>>) target(%arg7 : memref<79x128xi32, #tpu.memory_space<vmem>>) target_semaphore(%run_scoped3A : memref<!tpu.dma_semaphore, #tpu.memory_space<semaphore_mem>>)
      %dma_wait3A = arith.constant 0 : i32
      %dma_wait3A_57 = arith.constant 0 : i32
      %dma_wait3A_58 = tpu.memref_slice %arg3[%add3A, %dma_wait3A, %dma_wait3A_57] : memref<32x79x128xi32, #tpu.memory_space<hbm>> -> memref<1x79x128xi32, #tpu.memory_space<hbm>>
      %dma_wait3A_59 = tpu.memref_squeeze %dma_wait3A_58 : memref<1x79x128xi32, #tpu.memory_space<hbm>> -> memref<79x128xi32, #tpu.memory_space<hbm>>
      %dma_wait3A_60 = arith.constant 0 : i32
      %dma_wait3A_61 = arith.constant 0 : i32
      %dma_wait3A_62 = tpu.memref_slice %arg3[%add3A, %dma_wait3A_60, %dma_wait3A_61] : memref<32x79x128xi32, #tpu.memory_space<hbm>> -> memref<1x79x128xi32, #tpu.memory_space<hbm>>
      %dma_wait3A_63 = tpu.memref_squeeze %dma_wait3A_62 : memref<1x79x128xi32, #tpu.memory_space<hbm>> -> memref<79x128xi32, #tpu.memory_space<hbm>>
      tpu.wait_dma2 semaphore(%run_scoped3A : memref<!tpu.dma_semaphore, #tpu.memory_space<semaphore_mem>>) src(%dma_wait3A_63 : memref<79x128xi32, #tpu.memory_space<hbm>>) dst(%arg7 : memref<79x128xi32, #tpu.memory_space<vmem>>)
      tpu.yield
    }) : () -> ()
    %scan3A = arith.constant 0 : i32
    %scan3A_33 = arith.constant 0 : i32
    %scan3A_34 = arith.constant 79 : i32
    %scan3A_35 = arith.addi %scan3A_33, %scan3A_34 : i32
    %scan3A_36 = arith.constant 1 : i32
    scf.for %scan3A_50 = %scan3A_33 to %scan3A_35 step %scan3A_36  : i32 {
      %ge3A = arith.constant 4 : i32
      %ge3A_51 = arith.cmpi sge, %scan3A_50, %ge3A : i32
      %convert_element_type3A_52 = arith.extui %ge3A_51 : i1 to i32
      %cond3A_53 = arith.constant 0 : i32
      %cond3A_54 = arith.cmpi ne, %convert_element_type3A_52, %cond3A_53 : i32
      scf.if %cond3A_54 {
        %dma_wait3A = arith.constant 0 : i32
        %dma_wait3A_64 = tpu.memref_slice %arg4[%dma_wait3A] : memref<10001xf32, #tpu.memory_space<hbm>> -> memref<128xf32, #tpu.memory_space<hbm>>
        %dma_wait3A_65 = arith.constant 0 : i32
        %dma_wait3A_66 = tpu.memref_slice %arg4[%dma_wait3A_65] : memref<10001xf32, #tpu.memory_space<hbm>> -> memref<128xf32, #tpu.memory_space<hbm>>
        tpu.wait_dma2 semaphore(%arg11 : memref<!tpu.dma_semaphore, #tpu.memory_space<semaphore_mem>>) src(%dma_wait3A_66 : memref<128xf32, #tpu.memory_space<hbm>>) dst(%arg8 : memref<128xf32, #tpu.memory_space<vmem>>)
        %dma_wait3A_67 = arith.constant 0 : i32
        %dma_wait3A_68 = tpu.memref_slice %arg4[%dma_wait3A_67] : memref<10001xf32, #tpu.memory_space<hbm>> -> memref<128xf32, #tpu.memory_space<hbm>>
        %dma_wait3A_69 = arith.constant 0 : i32
        %dma_wait3A_70 = tpu.memref_slice %arg4[%dma_wait3A_69] : memref<10001xf32, #tpu.memory_space<hbm>> -> memref<128xf32, #tpu.memory_space<hbm>>
        tpu.wait_dma2 semaphore(%arg12 : memref<!tpu.dma_semaphore, #tpu.memory_space<semaphore_mem>>) src(%dma_wait3A_70 : memref<128xf32, #tpu.memory_space<hbm>>) dst(%arg8 : memref<128xf32, #tpu.memory_space<vmem>>)
      } else {
      }
      %dma_start3A = arith.constant 0 : i32
      %dma_start3A_55 = tpu.memref_slice %arg6[%scan3A_50, %dma_start3A] : memref<79x128xi32, #tpu.memory_space<vmem>> -> memref<1x128xi32, #tpu.memory_space<vmem>>
      %dma_start3A_56 = tpu.memref_squeeze %dma_start3A_55 : memref<1x128xi32, #tpu.memory_space<vmem>> -> memref<128xi32, #tpu.memory_space<vmem>>
      %dma_start3A_57 = arith.constant 0 : i32
      %dma_start3A_58 = tpu.memref_slice %arg9[%dma_start3A_57] : memref<10001xf32, #tpu.memory_space<vmem_shared>> -> memref<10001xf32, #tpu.memory_space<vmem_shared>>
      tpu.enqueue_indirect_dma source(%arg8 : memref<128xf32, #tpu.memory_space<vmem>>) target(%dma_start3A_58 : memref<10001xf32, #tpu.memory_space<vmem_shared>>) offsets(%dma_start3A_56 : memref<128xi32, #tpu.memory_space<vmem>>) semaphore(%arg11 : memref<!tpu.dma_semaphore, #tpu.memory_space<semaphore_mem>>) {add = true}
      %dma_start3A_59 = arith.constant 0 : i32
      %dma_start3A_60 = tpu.memref_slice %arg7[%scan3A_50, %dma_start3A_59] : memref<79x128xi32, #tpu.memory_space<vmem>> -> memref<1x128xi32, #tpu.memory_space<vmem>>
      %dma_start3A_61 = tpu.memref_squeeze %dma_start3A_60 : memref<1x128xi32, #tpu.memory_space<vmem>> -> memref<128xi32, #tpu.memory_space<vmem>>
      %dma_start3A_62 = arith.constant 0 : i32
      %dma_start3A_63 = tpu.memref_slice %arg10[%dma_start3A_62] : memref<10001xf32, #tpu.memory_space<vmem_shared>> -> memref<10001xf32, #tpu.memory_space<vmem_shared>>
      tpu.enqueue_indirect_dma source(%arg8 : memref<128xf32, #tpu.memory_space<vmem>>) target(%dma_start3A_63 : memref<10001xf32, #tpu.memory_space<vmem_shared>>) offsets(%dma_start3A_61 : memref<128xi32, #tpu.memory_space<vmem>>) semaphore(%arg12 : memref<!tpu.dma_semaphore, #tpu.memory_space<semaphore_mem>>) {add = true}
    }
    %scan3A_37 = arith.constant 79 : i32
    %scan3A_38 = arith.constant 0 : i32
    %scan3A_39 = arith.constant 0 : i32
    %scan3A_40 = arith.constant 4 : i32
    %scan3A_41 = arith.addi %scan3A_39, %scan3A_40 : i32
    %scan3A_42 = arith.constant 1 : i32
    scf.for %scan3A_50 = %scan3A_39 to %scan3A_41 step %scan3A_42  : i32 {
      %dma_wait3A = arith.constant 0 : i32
      %dma_wait3A_51 = tpu.memref_slice %arg4[%dma_wait3A] : memref<10001xf32, #tpu.memory_space<hbm>> -> memref<128xf32, #tpu.memory_space<hbm>>
      %dma_wait3A_52 = arith.constant 0 : i32
      %dma_wait3A_53 = tpu.memref_slice %arg4[%dma_wait3A_52] : memref<10001xf32, #tpu.memory_space<hbm>> -> memref<128xf32, #tpu.memory_space<hbm>>
      tpu.wait_dma2 semaphore(%arg11 : memref<!tpu.dma_semaphore, #tpu.memory_space<semaphore_mem>>) src(%dma_wait3A_53 : memref<128xf32, #tpu.memory_space<hbm>>) dst(%arg8 : memref<128xf32, #tpu.memory_space<vmem>>)
      %dma_wait3A_54 = arith.constant 0 : i32
      %dma_wait3A_55 = tpu.memref_slice %arg4[%dma_wait3A_54] : memref<10001xf32, #tpu.memory_space<hbm>> -> memref<128xf32, #tpu.memory_space<hbm>>
      %dma_wait3A_56 = arith.constant 0 : i32
      %dma_wait3A_57 = tpu.memref_slice %arg4[%dma_wait3A_56] : memref<10001xf32, #tpu.memory_space<hbm>> -> memref<128xf32, #tpu.memory_space<hbm>>
      tpu.wait_dma2 semaphore(%arg12 : memref<!tpu.dma_semaphore, #tpu.memory_space<semaphore_mem>>) src(%dma_wait3A_57 : memref<128xf32, #tpu.memory_space<hbm>>) dst(%arg8 : memref<128xf32, #tpu.memory_space<vmem>>)
    }
    %scan3A_43 = arith.constant 4 : i32
    %barrier3A_44 = arith.constant 0 : index
    tpu.barrier barrier_id(%barrier3A_44)
    %eq3A_45 = arith.constant 0 : i32
    %eq3A_46 = arith.cmpi eq, %arg1, %eq3A_45 : i32
    %convert_element_type3A_47 = arith.extui %eq3A_46 : i1 to i32
    %cond3A_48 = arith.constant 0 : i32
    %cond3A_49 = arith.cmpi ne, %convert_element_type3A_47, %cond3A_48 : i32
    scf.if %cond3A_49 {
      %run_scoped3A = arith.constant 0 : i32
      "tpu.region"() ({
        %run_scoped3A_51 = tpu.sem_alloc : memref<!tpu.dma_semaphore, #tpu.memory_space<semaphore_mem>>
        %dma_start3A = arith.constant 0 : i32
        %dma_start3A_52 = tpu.memref_slice %arg5[%arg0, %run_scoped3A, %dma_start3A] : memref<2x2x10001xf32, #tpu.memory_space<hbm>> -> memref<1x1x10001xf32, #tpu.memory_space<hbm>>
        %dma_start3A_53 = tpu.memref_squeeze %dma_start3A_52 : memref<1x1x10001xf32, #tpu.memory_space<hbm>> -> memref<10001xf32, #tpu.memory_space<hbm>>
        tpu.enqueue_dma source(%arg9 : memref<10001xf32, #tpu.memory_space<vmem_shared>>) target(%dma_start3A_53 : memref<10001xf32, #tpu.memory_space<hbm>>) target_semaphore(%run_scoped3A_51 : memref<!tpu.dma_semaphore, #tpu.memory_space<semaphore_mem>>)
        %dma_wait3A = arith.constant 0 : i32
        %dma_wait3A_54 = tpu.memref_slice %arg5[%arg0, %run_scoped3A, %dma_wait3A] : memref<2x2x10001xf32, #tpu.memory_space<hbm>> -> memref<1x1x10001xf32, #tpu.memory_space<hbm>>
        %dma_wait3A_55 = tpu.memref_squeeze %dma_wait3A_54 : memref<1x1x10001xf32, #tpu.memory_space<hbm>> -> memref<10001xf32, #tpu.memory_space<hbm>>
        tpu.wait_dma2 semaphore(%run_scoped3A_51 : memref<!tpu.dma_semaphore, #tpu.memory_space<semaphore_mem>>) src(%arg9 : memref<10001xf32, #tpu.memory_space<vmem_shared>>) dst(%dma_wait3A_55 : memref<10001xf32, #tpu.memory_space<hbm>>)
        tpu.yield
      }) : () -> ()
      %run_scoped3A_50 = arith.constant 1 : i32
      "tpu.region"() ({
        %run_scoped3A_51 = tpu.sem_alloc : memref<!tpu.dma_semaphore, #tpu.memory_space<semaphore_mem>>
        %dma_start3A = arith.constant 0 : i32
        %dma_start3A_52 = tpu.memref_slice %arg5[%arg0, %run_scoped3A_50, %dma_start3A] : memref<2x2x10001xf32, #tpu.memory_space<hbm>> -> memref<1x1x10001xf32, #tpu.memory_space<hbm>>
        %dma_start3A_53 = tpu.memref_squeeze %dma_start3A_52 : memref<1x1x10001xf32, #tpu.memory_space<hbm>> -> memref<10001xf32, #tpu.memory_space<hbm>>
        tpu.enqueue_dma source(%arg10 : memref<10001xf32, #tpu.memory_space<vmem_shared>>) target(%dma_start3A_53 : memref<10001xf32, #tpu.memory_space<hbm>>) target_semaphore(%run_scoped3A_51 : memref<!tpu.dma_semaphore, #tpu.memory_space<semaphore_mem>>)
        %dma_wait3A = arith.constant 0 : i32
        %dma_wait3A_54 = tpu.memref_slice %arg5[%arg0, %run_scoped3A_50, %dma_wait3A] : memref<2x2x10001xf32, #tpu.memory_space<hbm>> -> memref<1x1x10001xf32, #tpu.memory_space<hbm>>
        %dma_wait3A_55 = tpu.memref_squeeze %dma_wait3A_54 : memref<1x1x10001xf32, #tpu.memory_space<hbm>> -> memref<10001xf32, #tpu.memory_space<hbm>>
        tpu.wait_dma2 semaphore(%run_scoped3A_51 : memref<!tpu.dma_semaphore, #tpu.memory_space<semaphore_mem>>) src(%arg10 : memref<10001xf32, #tpu.memory_space<vmem_shared>>) dst(%dma_wait3A_55 : memref<10001xf32, #tpu.memory_space<hbm>>)
        tpu.yield
      }) : () -> ()
    } else {
    }
    return
  }
}

#map = affine_map<(d0, d1) -> (0, 0, 0)>
#map1 = affine_map<(d0, d1) -> (0, 0)>
module attributes {stable_mosaic.version = 14 : i64} {
  func.func @rows_kernel(%arg0: i32, %arg1: i32, %arg2: memref<32x79x128xi32, #tpu.memory_space<hbm>>, %arg3: memref<32x79x128xi32, #tpu.memory_space<hbm>>, %arg4: memref<10001x8xf32, #tpu.memory_space<hbm>>, %arg5: memref<10001x8xf32, #tpu.memory_space<hbm>>, %arg6: memref<2x10001x8xf32, #tpu.memory_space<hbm>>, %arg7: memref<79x128xi32, #tpu.memory_space<vmem>>, %arg8: memref<79x128xi32, #tpu.memory_space<vmem>>, %arg9: memref<2x128x8xf32, #tpu.memory_space<vmem>>, %arg10: memref<10001x8xf32, #tpu.memory_space<vmem_shared>>, %arg11: memref<10001x8xf32, #tpu.memory_space<vmem_shared>>, %arg12: memref<2x!tpu.dma_semaphore, #tpu.memory_space<semaphore_mem>>, %arg13: memref<2x!tpu.dma_semaphore, #tpu.memory_space<semaphore_mem>>) attributes {dimension_semantics = [#tpu.dimension_semantics<core_parallel>, #tpu.dimension_semantics<subcore_parallel>], iteration_bounds = array<i64: 2, 16>, scalar_prefetch = 0 : i64, scratch_operands = 7 : i64, tpu.core_type = #tpu.core_type<sc_vector_subcore>, window_params = [{transform_indices = #map}, {transform_indices = #map}, {transform_indices = #map1}, {transform_indices = #map1}, {transform_indices = #map}]} {
    %mul3A = arith.constant 2 : i32
    %mul3A_0 = arith.muli %arg1, %mul3A : i32
    %add3A = arith.addi %mul3A_0, %arg0 : i32
    %eq3A = arith.constant 0 : i32
    %eq3A_1 = arith.cmpi eq, %arg1, %eq3A : i32
    %convert_element_type3A = arith.extui %eq3A_1 : i1 to i32
    %cond3A = arith.constant 0 : i32
    %cond3A_2 = arith.cmpi ne, %convert_element_type3A, %cond3A : i32
    scf.if %cond3A_2 {
      "tpu.region"() ({
        %run_scoped3A = tpu.sem_alloc : memref<!tpu.dma_semaphore, #tpu.memory_space<semaphore_mem>>
        tpu.enqueue_dma source(%arg5 : memref<10001x8xf32, #tpu.memory_space<hbm>>) target(%arg11 : memref<10001x8xf32, #tpu.memory_space<vmem_shared>>) target_semaphore(%run_scoped3A : memref<!tpu.dma_semaphore, #tpu.memory_space<semaphore_mem>>)
        tpu.wait_dma2 semaphore(%run_scoped3A : memref<!tpu.dma_semaphore, #tpu.memory_space<semaphore_mem>>) src(%arg5 : memref<10001x8xf32, #tpu.memory_space<hbm>>) dst(%arg11 : memref<10001x8xf32, #tpu.memory_space<vmem_shared>>)
        tpu.yield
      }) : () -> ()
    } else {
    }
    %eq3A_3 = arith.constant 1 : i32
    %eq3A_4 = arith.cmpi eq, %arg1, %eq3A_3 : i32
    %convert_element_type3A_5 = arith.extui %eq3A_4 : i1 to i32
    %cond3A_6 = arith.constant 0 : i32
    %cond3A_7 = arith.cmpi ne, %convert_element_type3A_5, %cond3A_6 : i32
    scf.if %cond3A_7 {
      "tpu.region"() ({
        %run_scoped3A = tpu.sem_alloc : memref<!tpu.dma_semaphore, #tpu.memory_space<semaphore_mem>>
        tpu.enqueue_dma source(%arg4 : memref<10001x8xf32, #tpu.memory_space<hbm>>) target(%arg10 : memref<10001x8xf32, #tpu.memory_space<vmem_shared>>) target_semaphore(%run_scoped3A : memref<!tpu.dma_semaphore, #tpu.memory_space<semaphore_mem>>)
        tpu.wait_dma2 semaphore(%run_scoped3A : memref<!tpu.dma_semaphore, #tpu.memory_space<semaphore_mem>>) src(%arg4 : memref<10001x8xf32, #tpu.memory_space<hbm>>) dst(%arg10 : memref<10001x8xf32, #tpu.memory_space<vmem_shared>>)
        tpu.yield
      }) : () -> ()
    } else {
    }
    %barrier3A = arith.constant 0 : index
    tpu.barrier barrier_id(%barrier3A)
    "tpu.region"() ({
      %run_scoped3A = tpu.sem_alloc : memref<!tpu.dma_semaphore, #tpu.memory_space<semaphore_mem>>
      %dma_start3A_50 = arith.constant 0 : i32
      %dma_start3A_51 = arith.constant 0 : i32
      %dma_start3A_52 = tpu.memref_slice %arg2[%add3A, %dma_start3A_50, %dma_start3A_51] : memref<32x79x128xi32, #tpu.memory_space<hbm>> -> memref<1x79x128xi32, #tpu.memory_space<hbm>>
      %dma_start3A_53 = tpu.memref_squeeze %dma_start3A_52 : memref<1x79x128xi32, #tpu.memory_space<hbm>> -> memref<79x128xi32, #tpu.memory_space<hbm>>
      %dma_start3A_54 = arith.constant 0 : i32
      %dma_start3A_55 = arith.constant 0 : i32
      %dma_start3A_56 = tpu.memref_slice %arg2[%add3A, %dma_start3A_54, %dma_start3A_55] : memref<32x79x128xi32, #tpu.memory_space<hbm>> -> memref<1x79x128xi32, #tpu.memory_space<hbm>>
      %dma_start3A_57 = tpu.memref_squeeze %dma_start3A_56 : memref<1x79x128xi32, #tpu.memory_space<hbm>> -> memref<79x128xi32, #tpu.memory_space<hbm>>
      tpu.enqueue_dma source(%dma_start3A_57 : memref<79x128xi32, #tpu.memory_space<hbm>>) target(%arg7 : memref<79x128xi32, #tpu.memory_space<vmem>>) target_semaphore(%run_scoped3A : memref<!tpu.dma_semaphore, #tpu.memory_space<semaphore_mem>>)
      %dma_wait3A_58 = arith.constant 0 : i32
      %dma_wait3A_59 = arith.constant 0 : i32
      %dma_wait3A_60 = tpu.memref_slice %arg2[%add3A, %dma_wait3A_58, %dma_wait3A_59] : memref<32x79x128xi32, #tpu.memory_space<hbm>> -> memref<1x79x128xi32, #tpu.memory_space<hbm>>
      %dma_wait3A_61 = tpu.memref_squeeze %dma_wait3A_60 : memref<1x79x128xi32, #tpu.memory_space<hbm>> -> memref<79x128xi32, #tpu.memory_space<hbm>>
      %dma_wait3A_62 = arith.constant 0 : i32
      %dma_wait3A_63 = arith.constant 0 : i32
      %dma_wait3A_64 = tpu.memref_slice %arg2[%add3A, %dma_wait3A_62, %dma_wait3A_63] : memref<32x79x128xi32, #tpu.memory_space<hbm>> -> memref<1x79x128xi32, #tpu.memory_space<hbm>>
      %dma_wait3A_65 = tpu.memref_squeeze %dma_wait3A_64 : memref<1x79x128xi32, #tpu.memory_space<hbm>> -> memref<79x128xi32, #tpu.memory_space<hbm>>
      tpu.wait_dma2 semaphore(%run_scoped3A : memref<!tpu.dma_semaphore, #tpu.memory_space<semaphore_mem>>) src(%dma_wait3A_65 : memref<79x128xi32, #tpu.memory_space<hbm>>) dst(%arg7 : memref<79x128xi32, #tpu.memory_space<vmem>>)
      tpu.yield
    }) : () -> ()
    "tpu.region"() ({
      %run_scoped3A = tpu.sem_alloc : memref<!tpu.dma_semaphore, #tpu.memory_space<semaphore_mem>>
      %dma_start3A_50 = arith.constant 0 : i32
      %dma_start3A_51 = arith.constant 0 : i32
      %dma_start3A_52 = tpu.memref_slice %arg3[%add3A, %dma_start3A_50, %dma_start3A_51] : memref<32x79x128xi32, #tpu.memory_space<hbm>> -> memref<1x79x128xi32, #tpu.memory_space<hbm>>
      %dma_start3A_53 = tpu.memref_squeeze %dma_start3A_52 : memref<1x79x128xi32, #tpu.memory_space<hbm>> -> memref<79x128xi32, #tpu.memory_space<hbm>>
      %dma_start3A_54 = arith.constant 0 : i32
      %dma_start3A_55 = arith.constant 0 : i32
      %dma_start3A_56 = tpu.memref_slice %arg3[%add3A, %dma_start3A_54, %dma_start3A_55] : memref<32x79x128xi32, #tpu.memory_space<hbm>> -> memref<1x79x128xi32, #tpu.memory_space<hbm>>
      %dma_start3A_57 = tpu.memref_squeeze %dma_start3A_56 : memref<1x79x128xi32, #tpu.memory_space<hbm>> -> memref<79x128xi32, #tpu.memory_space<hbm>>
      tpu.enqueue_dma source(%dma_start3A_57 : memref<79x128xi32, #tpu.memory_space<hbm>>) target(%arg8 : memref<79x128xi32, #tpu.memory_space<vmem>>) target_semaphore(%run_scoped3A : memref<!tpu.dma_semaphore, #tpu.memory_space<semaphore_mem>>)
      %dma_wait3A_58 = arith.constant 0 : i32
      %dma_wait3A_59 = arith.constant 0 : i32
      %dma_wait3A_60 = tpu.memref_slice %arg3[%add3A, %dma_wait3A_58, %dma_wait3A_59] : memref<32x79x128xi32, #tpu.memory_space<hbm>> -> memref<1x79x128xi32, #tpu.memory_space<hbm>>
      %dma_wait3A_61 = tpu.memref_squeeze %dma_wait3A_60 : memref<1x79x128xi32, #tpu.memory_space<hbm>> -> memref<79x128xi32, #tpu.memory_space<hbm>>
      %dma_wait3A_62 = arith.constant 0 : i32
      %dma_wait3A_63 = arith.constant 0 : i32
      %dma_wait3A_64 = tpu.memref_slice %arg3[%add3A, %dma_wait3A_62, %dma_wait3A_63] : memref<32x79x128xi32, #tpu.memory_space<hbm>> -> memref<1x79x128xi32, #tpu.memory_space<hbm>>
      %dma_wait3A_65 = tpu.memref_squeeze %dma_wait3A_64 : memref<1x79x128xi32, #tpu.memory_space<hbm>> -> memref<79x128xi32, #tpu.memory_space<hbm>>
      tpu.wait_dma2 semaphore(%run_scoped3A : memref<!tpu.dma_semaphore, #tpu.memory_space<semaphore_mem>>) src(%dma_wait3A_65 : memref<79x128xi32, #tpu.memory_space<hbm>>) dst(%arg8 : memref<79x128xi32, #tpu.memory_space<vmem>>)
      tpu.yield
    }) : () -> ()
    %dma_start3A = arith.constant 0 : i32
    %dma_start3A_8 = arith.constant 0 : i32
    %dma_start3A_9 = arith.constant 0 : i32
    %dma_start3A_10 = arith.constant 0 : i32
    %dma_start3A_11 = arith.constant 0 : i32
    %dma_start3A_12 = tpu.memref_slice %arg9[%dma_start3A_8, %dma_start3A_10, %dma_start3A_11] : memref<2x128x8xf32, #tpu.memory_space<vmem>> -> memref<1x128x8xf32, #tpu.memory_space<vmem>>
    %dma_start3A_13 = tpu.memref_squeeze %dma_start3A_12 : memref<1x128x8xf32, #tpu.memory_space<vmem>> -> memref<128x8xf32, #tpu.memory_space<vmem>>
    %dma_start3A_14 = arith.constant 0 : i32
    %dma_start3A_15 = tpu.memref_slice %arg7[%dma_start3A, %dma_start3A_14] : memref<79x128xi32, #tpu.memory_space<vmem>> -> memref<1x128xi32, #tpu.memory_space<vmem>>
    %dma_start3A_16 = tpu.memref_squeeze %dma_start3A_15 : memref<1x128xi32, #tpu.memory_space<vmem>> -> memref<128xi32, #tpu.memory_space<vmem>>
    %dma_start3A_17 = arith.constant 0 : i32
    %dma_start3A_18 = arith.constant 0 : i32
    %dma_start3A_19 = tpu.memref_slice %arg10[%dma_start3A_17, %dma_start3A_18] : memref<10001x8xf32, #tpu.memory_space<vmem_shared>> -> memref<10001x8xf32, #tpu.memory_space<vmem_shared>>
    %dma_start3A_20 = tpu.memref_slice %arg12[%dma_start3A_9] : memref<2x!tpu.dma_semaphore, #tpu.memory_space<semaphore_mem>> -> memref<1x!tpu.dma_semaphore, #tpu.memory_space<semaphore_mem>>
    %dma_start3A_21 = tpu.memref_squeeze %dma_start3A_20 : memref<1x!tpu.dma_semaphore, #tpu.memory_space<semaphore_mem>> -> memref<!tpu.dma_semaphore, #tpu.memory_space<semaphore_mem>>
    tpu.enqueue_indirect_dma source(%dma_start3A_19 : memref<10001x8xf32, #tpu.memory_space<vmem_shared>>) target(%dma_start3A_13 : memref<128x8xf32, #tpu.memory_space<vmem>>) offsets(%dma_start3A_16 : memref<128xi32, #tpu.memory_space<vmem>>) semaphore(%dma_start3A_21 : memref<!tpu.dma_semaphore, #tpu.memory_space<semaphore_mem>>)
    %scan3A = arith.constant 0 : i32
    %scan3A_22 = arith.constant 0 : i32
    %scan3A_23 = arith.constant 79 : i32
    %scan3A_24 = arith.addi %scan3A_22, %scan3A_23 : i32
    %scan3A_25 = arith.constant 1 : i32
    scf.for %scan3A_50 = %scan3A_22 to %scan3A_24 step %scan3A_25  : i32 {
      %jit3A = arith.constant 2 : i32
      %eq3A_51 = arith.constant 0 : i32
      %eq3A_52 = arith.cmpi eq, %jit3A, %eq3A_51 : i32
      %jit3A_53 = arith.constant 1 : i32
      %select_n3A = arith.select %eq3A_52, %jit3A_53, %jit3A : i32
      %rem3A = arith.remsi %scan3A_50, %select_n3A : i32
      %ne3A = arith.constant 0 : i32
      %ne3A_54 = arith.cmpi ne, %rem3A, %ne3A : i32
      %lt3A = arith.constant 0 : i32
      %lt3A_55 = arith.cmpi slt, %rem3A, %lt3A : i32
      %lt3A_56 = arith.constant 0 : i32
      %lt3A_57 = arith.cmpi slt, %select_n3A, %lt3A_56 : i32
      %ne3A_58 = arith.xori %lt3A_55, %lt3A_57 : i1
      %and3A = arith.andi %ne3A_58, %ne3A_54 : i1
      %add3A_59 = arith.addi %rem3A, %select_n3A : i32
      %select_n3A_60 = arith.select %and3A, %add3A_59, %rem3A : i32
      %add3A_61 = arith.constant 1 : i32
      %add3A_62 = arith.addi %scan3A_50, %add3A_61 : i32
      %jit3A_63 = arith.constant 2 : i32
      %eq3A_64 = arith.constant 0 : i32
      %eq3A_65 = arith.cmpi eq, %jit3A_63, %eq3A_64 : i32
      %jit3A_66 = arith.constant 1 : i32
      %select_n3A_67 = arith.select %eq3A_65, %jit3A_66, %jit3A_63 : i32
      %rem3A_68 = arith.remsi %add3A_62, %select_n3A_67 : i32
      %ne3A_69 = arith.constant 0 : i32
      %ne3A_70 = arith.cmpi ne, %rem3A_68, %ne3A_69 : i32
      %lt3A_71 = arith.constant 0 : i32
      %lt3A_72 = arith.cmpi slt, %rem3A_68, %lt3A_71 : i32
      %lt3A_73 = arith.constant 0 : i32
      %lt3A_74 = arith.cmpi slt, %select_n3A_67, %lt3A_73 : i32
      %ne3A_75 = arith.xori %lt3A_72, %lt3A_74 : i1
      %and3A_76 = arith.andi %ne3A_75, %ne3A_70 : i1
      %add3A_77 = arith.addi %rem3A_68, %select_n3A_67 : i32
      %select_n3A_78 = arith.select %and3A_76, %add3A_77, %rem3A_68 : i32
      %ge3A = arith.constant 1 : i32
      %ge3A_79 = arith.cmpi sge, %scan3A_50, %ge3A : i32
      %convert_element_type3A_80 = arith.extui %ge3A_79 : i1 to i32
      %cond3A_81 = arith.constant 0 : i32
      %cond3A_82 = arith.cmpi ne, %convert_element_type3A_80, %cond3A_81 : i32
      scf.if %cond3A_82 {
        %dma_wait3A_118 = arith.constant 0 : i32
        %dma_wait3A_119 = arith.constant 0 : i32
        %dma_wait3A_120 = tpu.memref_slice %arg9[%select_n3A_78, %dma_wait3A_118, %dma_wait3A_119] : memref<2x128x8xf32, #tpu.memory_space<vmem>> -> memref<1x128x8xf32, #tpu.memory_space<vmem>>
        %dma_wait3A_121 = tpu.memref_squeeze %dma_wait3A_120 : memref<1x128x8xf32, #tpu.memory_space<vmem>> -> memref<128x8xf32, #tpu.memory_space<vmem>>
        %dma_wait3A_122 = arith.constant 0 : i32
        %dma_wait3A_123 = arith.constant 0 : i32
        %dma_wait3A_124 = tpu.memref_slice %arg4[%dma_wait3A_122, %dma_wait3A_123] : memref<10001x8xf32, #tpu.memory_space<hbm>> -> memref<128x8xf32, #tpu.memory_space<hbm>>
        %dma_wait3A_125 = tpu.memref_slice %arg13[%select_n3A_78] : memref<2x!tpu.dma_semaphore, #tpu.memory_space<semaphore_mem>> -> memref<1x!tpu.dma_semaphore, #tpu.memory_space<semaphore_mem>>
        %dma_wait3A_126 = tpu.memref_squeeze %dma_wait3A_125 : memref<1x!tpu.dma_semaphore, #tpu.memory_space<semaphore_mem>> -> memref<!tpu.dma_semaphore, #tpu.memory_space<semaphore_mem>>
        %dma_wait3A_127 = arith.constant 0 : i32
        %dma_wait3A_128 = arith.constant 0 : i32
        %dma_wait3A_129 = tpu.memref_slice %arg9[%select_n3A_78, %dma_wait3A_127, %dma_wait3A_128] : memref<2x128x8xf32, #tpu.memory_space<vmem>> -> memref<1x128x8xf32, #tpu.memory_space<vmem>>
        %dma_wait3A_130 = tpu.memref_squeeze %dma_wait3A_129 : memref<1x128x8xf32, #tpu.memory_space<vmem>> -> memref<128x8xf32, #tpu.memory_space<vmem>>
        %dma_wait3A_131 = arith.constant 0 : i32
        %dma_wait3A_132 = arith.constant 0 : i32
        %dma_wait3A_133 = tpu.memref_slice %arg4[%dma_wait3A_131, %dma_wait3A_132] : memref<10001x8xf32, #tpu.memory_space<hbm>> -> memref<128x8xf32, #tpu.memory_space<hbm>>
        tpu.wait_dma2 semaphore(%dma_wait3A_126 : memref<!tpu.dma_semaphore, #tpu.memory_space<semaphore_mem>>) src(%dma_wait3A_133 : memref<128x8xf32, #tpu.memory_space<hbm>>) dst(%dma_wait3A_130 : memref<128x8xf32, #tpu.memory_space<vmem>>)
      } else {
      }
      %add3A_83 = arith.constant 1 : i32
      %add3A_84 = arith.addi %scan3A_50, %add3A_83 : i32
      %lt3A_85 = arith.constant 79 : i32
      %lt3A_86 = arith.cmpi slt, %add3A_84, %lt3A_85 : i32
      %convert_element_type3A_87 = arith.extui %lt3A_86 : i1 to i32
      %cond3A_88 = arith.constant 0 : i32
      %cond3A_89 = arith.cmpi ne, %convert_element_type3A_87, %cond3A_88 : i32
      scf.if %cond3A_89 {
        %add3A_118 = arith.constant 1 : i32
        %add3A_119 = arith.addi %scan3A_50, %add3A_118 : i32
        %dma_start3A_120 = arith.constant 0 : i32
        %dma_start3A_121 = arith.constant 0 : i32
        %dma_start3A_122 = tpu.memref_slice %arg9[%select_n3A_78, %dma_start3A_120, %dma_start3A_121] : memref<2x128x8xf32, #tpu.memory_space<vmem>> -> memref<1x128x8xf32, #tpu.memory_space<vmem>>
        %dma_start3A_123 = tpu.memref_squeeze %dma_start3A_122 : memref<1x128x8xf32, #tpu.memory_space<vmem>> -> memref<128x8xf32, #tpu.memory_space<vmem>>
        %dma_start3A_124 = arith.constant 0 : i32
        %dma_start3A_125 = tpu.memref_slice %arg7[%add3A_119, %dma_start3A_124] : memref<79x128xi32, #tpu.memory_space<vmem>> -> memref<1x128xi32, #tpu.memory_space<vmem>>
        %dma_start3A_126 = tpu.memref_squeeze %dma_start3A_125 : memref<1x128xi32, #tpu.memory_space<vmem>> -> memref<128xi32, #tpu.memory_space<vmem>>
        %dma_start3A_127 = arith.constant 0 : i32
        %dma_start3A_128 = arith.constant 0 : i32
        %dma_start3A_129 = tpu.memref_slice %arg10[%dma_start3A_127, %dma_start3A_128] : memref<10001x8xf32, #tpu.memory_space<vmem_shared>> -> memref<10001x8xf32, #tpu.memory_space<vmem_shared>>
        %dma_start3A_130 = tpu.memref_slice %arg12[%select_n3A_78] : memref<2x!tpu.dma_semaphore, #tpu.memory_space<semaphore_mem>> -> memref<1x!tpu.dma_semaphore, #tpu.memory_space<semaphore_mem>>
        %dma_start3A_131 = tpu.memref_squeeze %dma_start3A_130 : memref<1x!tpu.dma_semaphore, #tpu.memory_space<semaphore_mem>> -> memref<!tpu.dma_semaphore, #tpu.memory_space<semaphore_mem>>
        tpu.enqueue_indirect_dma source(%dma_start3A_129 : memref<10001x8xf32, #tpu.memory_space<vmem_shared>>) target(%dma_start3A_123 : memref<128x8xf32, #tpu.memory_space<vmem>>) offsets(%dma_start3A_126 : memref<128xi32, #tpu.memory_space<vmem>>) semaphore(%dma_start3A_131 : memref<!tpu.dma_semaphore, #tpu.memory_space<semaphore_mem>>)
      } else {
      }
      %dma_wait3A_90 = arith.constant 0 : i32
      %dma_wait3A_91 = arith.constant 0 : i32
      %dma_wait3A_92 = tpu.memref_slice %arg9[%select_n3A_60, %dma_wait3A_90, %dma_wait3A_91] : memref<2x128x8xf32, #tpu.memory_space<vmem>> -> memref<1x128x8xf32, #tpu.memory_space<vmem>>
      %dma_wait3A_93 = tpu.memref_squeeze %dma_wait3A_92 : memref<1x128x8xf32, #tpu.memory_space<vmem>> -> memref<128x8xf32, #tpu.memory_space<vmem>>
      %dma_wait3A_94 = arith.constant 0 : i32
      %dma_wait3A_95 = arith.constant 0 : i32
      %dma_wait3A_96 = tpu.memref_slice %arg4[%dma_wait3A_94, %dma_wait3A_95] : memref<10001x8xf32, #tpu.memory_space<hbm>> -> memref<128x8xf32, #tpu.memory_space<hbm>>
      %dma_wait3A_97 = tpu.memref_slice %arg12[%select_n3A_60] : memref<2x!tpu.dma_semaphore, #tpu.memory_space<semaphore_mem>> -> memref<1x!tpu.dma_semaphore, #tpu.memory_space<semaphore_mem>>
      %dma_wait3A_98 = tpu.memref_squeeze %dma_wait3A_97 : memref<1x!tpu.dma_semaphore, #tpu.memory_space<semaphore_mem>> -> memref<!tpu.dma_semaphore, #tpu.memory_space<semaphore_mem>>
      %dma_wait3A_99 = arith.constant 0 : i32
      %dma_wait3A_100 = arith.constant 0 : i32
      %dma_wait3A_101 = tpu.memref_slice %arg9[%select_n3A_60, %dma_wait3A_99, %dma_wait3A_100] : memref<2x128x8xf32, #tpu.memory_space<vmem>> -> memref<1x128x8xf32, #tpu.memory_space<vmem>>
      %dma_wait3A_102 = tpu.memref_squeeze %dma_wait3A_101 : memref<1x128x8xf32, #tpu.memory_space<vmem>> -> memref<128x8xf32, #tpu.memory_space<vmem>>
      %dma_wait3A_103 = arith.constant 0 : i32
      %dma_wait3A_104 = arith.constant 0 : i32
      %dma_wait3A_105 = tpu.memref_slice %arg4[%dma_wait3A_103, %dma_wait3A_104] : memref<10001x8xf32, #tpu.memory_space<hbm>> -> memref<128x8xf32, #tpu.memory_space<hbm>>
      tpu.wait_dma2 semaphore(%dma_wait3A_98 : memref<!tpu.dma_semaphore, #tpu.memory_space<semaphore_mem>>) src(%dma_wait3A_105 : memref<128x8xf32, #tpu.memory_space<hbm>>) dst(%dma_wait3A_102 : memref<128x8xf32, #tpu.memory_space<vmem>>)
      %dma_start3A_106 = arith.constant 0 : i32
      %dma_start3A_107 = arith.constant 0 : i32
      %dma_start3A_108 = tpu.memref_slice %arg9[%select_n3A_60, %dma_start3A_106, %dma_start3A_107] : memref<2x128x8xf32, #tpu.memory_space<vmem>> -> memref<1x128x8xf32, #tpu.memory_space<vmem>>
      %dma_start3A_109 = tpu.memref_squeeze %dma_start3A_108 : memref<1x128x8xf32, #tpu.memory_space<vmem>> -> memref<128x8xf32, #tpu.memory_space<vmem>>
      %dma_start3A_110 = arith.constant 0 : i32
      %dma_start3A_111 = tpu.memref_slice %arg8[%scan3A_50, %dma_start3A_110] : memref<79x128xi32, #tpu.memory_space<vmem>> -> memref<1x128xi32, #tpu.memory_space<vmem>>
      %dma_start3A_112 = tpu.memref_squeeze %dma_start3A_111 : memref<1x128xi32, #tpu.memory_space<vmem>> -> memref<128xi32, #tpu.memory_space<vmem>>
      %dma_start3A_113 = arith.constant 0 : i32
      %dma_start3A_114 = arith.constant 0 : i32
      %dma_start3A_115 = tpu.memref_slice %arg11[%dma_start3A_113, %dma_start3A_114] : memref<10001x8xf32, #tpu.memory_space<vmem_shared>> -> memref<10001x8xf32, #tpu.memory_space<vmem_shared>>
      %dma_start3A_116 = tpu.memref_slice %arg13[%select_n3A_60] : memref<2x!tpu.dma_semaphore, #tpu.memory_space<semaphore_mem>> -> memref<1x!tpu.dma_semaphore, #tpu.memory_space<semaphore_mem>>
      %dma_start3A_117 = tpu.memref_squeeze %dma_start3A_116 : memref<1x!tpu.dma_semaphore, #tpu.memory_space<semaphore_mem>> -> memref<!tpu.dma_semaphore, #tpu.memory_space<semaphore_mem>>
      tpu.enqueue_indirect_dma source(%dma_start3A_109 : memref<128x8xf32, #tpu.memory_space<vmem>>) target(%dma_start3A_115 : memref<10001x8xf32, #tpu.memory_space<vmem_shared>>) offsets(%dma_start3A_112 : memref<128xi32, #tpu.memory_space<vmem>>) semaphore(%dma_start3A_117 : memref<!tpu.dma_semaphore, #tpu.memory_space<semaphore_mem>>) {add = true}
    }
    %scan3A_26 = arith.constant 79 : i32
    %dma_wait3A = arith.constant 0 : i32
    %dma_wait3A_27 = arith.constant 0 : i32
    %dma_wait3A_28 = arith.constant 0 : i32
    %dma_wait3A_29 = arith.constant 0 : i32
    %dma_wait3A_30 = tpu.memref_slice %arg9[%dma_wait3A, %dma_wait3A_28, %dma_wait3A_29] : memref<2x128x8xf32, #tpu.memory_space<vmem>> -> memref<1x128x8xf32, #tpu.memory_space<vmem>>
    %dma_wait3A_31 = tpu.memref_squeeze %dma_wait3A_30 : memref<1x128x8xf32, #tpu.memory_space<vmem>> -> memref<128x8xf32, #tpu.memory_space<vmem>>
    %dma_wait3A_32 = arith.constant 0 : i32
    %dma_wait3A_33 = arith.constant 0 : i32
    %dma_wait3A_34 = tpu.memref_slice %arg4[%dma_wait3A_32, %dma_wait3A_33] : memref<10001x8xf32, #tpu.memory_space<hbm>> -> memref<128x8xf32, #tpu.memory_space<hbm>>
    %dma_wait3A_35 = tpu.memref_slice %arg13[%dma_wait3A_27] : memref<2x!tpu.dma_semaphore, #tpu.memory_space<semaphore_mem>> -> memref<1x!tpu.dma_semaphore, #tpu.memory_space<semaphore_mem>>
    %dma_wait3A_36 = tpu.memref_squeeze %dma_wait3A_35 : memref<1x!tpu.dma_semaphore, #tpu.memory_space<semaphore_mem>> -> memref<!tpu.dma_semaphore, #tpu.memory_space<semaphore_mem>>
    %dma_wait3A_37 = arith.constant 0 : i32
    %dma_wait3A_38 = arith.constant 0 : i32
    %dma_wait3A_39 = tpu.memref_slice %arg9[%dma_wait3A, %dma_wait3A_37, %dma_wait3A_38] : memref<2x128x8xf32, #tpu.memory_space<vmem>> -> memref<1x128x8xf32, #tpu.memory_space<vmem>>
    %dma_wait3A_40 = tpu.memref_squeeze %dma_wait3A_39 : memref<1x128x8xf32, #tpu.memory_space<vmem>> -> memref<128x8xf32, #tpu.memory_space<vmem>>
    %dma_wait3A_41 = arith.constant 0 : i32
    %dma_wait3A_42 = arith.constant 0 : i32
    %dma_wait3A_43 = tpu.memref_slice %arg4[%dma_wait3A_41, %dma_wait3A_42] : memref<10001x8xf32, #tpu.memory_space<hbm>> -> memref<128x8xf32, #tpu.memory_space<hbm>>
    tpu.wait_dma2 semaphore(%dma_wait3A_36 : memref<!tpu.dma_semaphore, #tpu.memory_space<semaphore_mem>>) src(%dma_wait3A_43 : memref<128x8xf32, #tpu.memory_space<hbm>>) dst(%dma_wait3A_40 : memref<128x8xf32, #tpu.memory_space<vmem>>)
    %barrier3A_44 = arith.constant 0 : index
    tpu.barrier barrier_id(%barrier3A_44)
    %eq3A_45 = arith.constant 0 : i32
    %eq3A_46 = arith.cmpi eq, %arg1, %eq3A_45 : i32
    %convert_element_type3A_47 = arith.extui %eq3A_46 : i1 to i32
    %cond3A_48 = arith.constant 0 : i32
    %cond3A_49 = arith.cmpi ne, %convert_element_type3A_47, %cond3A_48 : i32
    scf.if %cond3A_49 {
      "tpu.region"() ({
        %run_scoped3A = tpu.sem_alloc : memref<!tpu.dma_semaphore, #tpu.memory_space<semaphore_mem>>
        %dma_start3A_50 = arith.constant 0 : i32
        %dma_start3A_51 = arith.constant 0 : i32
        %dma_start3A_52 = tpu.memref_slice %arg6[%arg0, %dma_start3A_50, %dma_start3A_51] : memref<2x10001x8xf32, #tpu.memory_space<hbm>> -> memref<1x10001x8xf32, #tpu.memory_space<hbm>>
        %dma_start3A_53 = tpu.memref_squeeze %dma_start3A_52 : memref<1x10001x8xf32, #tpu.memory_space<hbm>> -> memref<10001x8xf32, #tpu.memory_space<hbm>>
        tpu.enqueue_dma source(%arg11 : memref<10001x8xf32, #tpu.memory_space<vmem_shared>>) target(%dma_start3A_53 : memref<10001x8xf32, #tpu.memory_space<hbm>>) target_semaphore(%run_scoped3A : memref<!tpu.dma_semaphore, #tpu.memory_space<semaphore_mem>>)
        %dma_wait3A_54 = arith.constant 0 : i32
        %dma_wait3A_55 = arith.constant 0 : i32
        %dma_wait3A_56 = tpu.memref_slice %arg6[%arg0, %dma_wait3A_54, %dma_wait3A_55] : memref<2x10001x8xf32, #tpu.memory_space<hbm>> -> memref<1x10001x8xf32, #tpu.memory_space<hbm>>
        %dma_wait3A_57 = tpu.memref_squeeze %dma_wait3A_56 : memref<1x10001x8xf32, #tpu.memory_space<hbm>> -> memref<10001x8xf32, #tpu.memory_space<hbm>>
        tpu.wait_dma2 semaphore(%run_scoped3A : memref<!tpu.dma_semaphore, #tpu.memory_space<semaphore_mem>>) src(%arg11 : memref<10001x8xf32, #tpu.memory_space<vmem_shared>>) dst(%dma_wait3A_57 : memref<10001x8xf32, #tpu.memory_space<hbm>>)
        tpu.yield
      }) : () -> ()
    } else {
    }
    return
  }
}

module attributes {stable_mosaic.version = 14 : i64} {
  func.func @_tc_a_body(%arg0: memref<2x2x10001xf32, #tpu.memory_space<vmem>>, %arg1: memref<10000x128xf32, #tpu.memory_space<vmem>>, %arg2: memref<128x8xf32, #tpu.memory_space<vmem>>, %arg3: memref<10001x8xf32, #tpu.memory_space<vmem>>, %arg4: memref<10000xf32, #tpu.memory_space<vmem>>, %arg5: memref<10000xf32, #tpu.memory_space<vmem>>) attributes {dimension_semantics = [], scalar_prefetch = 0 : i64, scratch_operands = 0 : i64, tpu.core_type = #tpu.core_type<tc>} {
    %get3A = arith.constant 0 : index
    %get3A_0 = arith.constant 0 : index
    %get3A_1 = arith.constant 0 : index
    %get3A_2 = vector.load %arg0[%get3A, %get3A_0, %get3A_1] : memref<2x2x10001xf32, #tpu.memory_space<vmem>>, vector<1x1x10000xf32>
    %get3A_3 = vector.shape_cast %get3A_2 : vector<1x1x10000xf32> to vector<10000xf32>
    %get3A_4 = arith.constant 1 : index
    %get3A_5 = arith.constant 0 : index
    %get3A_6 = arith.constant 0 : index
    %get3A_7 = vector.load %arg0[%get3A_4, %get3A_5, %get3A_6] : memref<2x2x10001xf32, #tpu.memory_space<vmem>>, vector<1x1x10000xf32>
    %get3A_8 = vector.shape_cast %get3A_7 : vector<1x1x10000xf32> to vector<10000xf32>
    %add3A = arith.addf %get3A_3, %get3A_8 : vector<10000xf32>
    %get3A_9 = arith.constant 0 : index
    %get3A_10 = arith.constant 1 : index
    %get3A_11 = arith.constant 0 : index
    %get3A_12 = vector.load %arg0[%get3A_9, %get3A_10, %get3A_11] : memref<2x2x10001xf32, #tpu.memory_space<vmem>>, vector<1x1x10000xf32>
    %get3A_13 = vector.shape_cast %get3A_12 : vector<1x1x10000xf32> to vector<10000xf32>
    %get3A_14 = arith.constant 1 : index
    %get3A_15 = arith.constant 1 : index
    %get3A_16 = arith.constant 0 : index
    %get3A_17 = vector.load %arg0[%get3A_14, %get3A_15, %get3A_16] : memref<2x2x10001xf32, #tpu.memory_space<vmem>>, vector<1x1x10000xf32>
    %get3A_18 = vector.shape_cast %get3A_17 : vector<1x1x10000xf32> to vector<10000xf32>
    %add3A_19 = arith.addf %get3A_13, %get3A_18 : vector<10000xf32>
    %max3A = arith.constant 1.000000e+00 : f32
    %max3A_20 = vector.broadcast %max3A : f32 to vector<10000xf32>
    %max3A_21 = arith.maximumf %add3A, %max3A_20 : vector<10000xf32>
    %rsqrt3A = math.rsqrt %max3A_21 : vector<10000xf32>
    %max3A_22 = arith.constant 1.000000e+00 : f32
    %max3A_23 = vector.broadcast %max3A_22 : f32 to vector<10000xf32>
    %max3A_24 = arith.maximumf %add3A_19, %max3A_23 : vector<10000xf32>
    %rsqrt3A_25 = math.rsqrt %max3A_24 : vector<10000xf32>
    %swap3A = arith.constant 0 : index
    %swap3A_26 = vector.load %arg4[%swap3A] : memref<10000xf32, #tpu.memory_space<vmem>>, vector<10000xf32>
    tpu.vector_store %arg4[%swap3A], %rsqrt3A {strides = array<i32>} : memref<10000xf32, #tpu.memory_space<vmem>>, vector<10000xf32>,
    %swap3A_27 = arith.constant 0 : index
    %swap3A_28 = vector.load %arg5[%swap3A_27] : memref<10000xf32, #tpu.memory_space<vmem>>, vector<10000xf32>
    tpu.vector_store %arg5[%swap3A_27], %rsqrt3A_25 {strides = array<i32>} : memref<10000xf32, #tpu.memory_space<vmem>>, vector<10000xf32>,
    %get3A_29 = arith.constant 0 : index
    %get3A_30 = arith.constant 0 : index
    %get3A_31 = vector.load %arg1[%get3A_29, %get3A_30] : memref<10000x128xf32, #tpu.memory_space<vmem>>, vector<10000x128xf32>
    %get3A_32 = arith.constant 0 : index
    %get3A_33 = arith.constant 0 : index
    %get3A_34 = vector.load %arg2[%get3A_32, %get3A_33] : memref<128x8xf32, #tpu.memory_space<vmem>>, vector<128x8xf32>
    %dot_general3A = arith.constant dense<0.000000e+00> : vector<10000x8xf32>
    %dot_general3A_35 = tpu.matmul %get3A_31, %get3A_34, %dot_general3A {dimension_numbers = #tpu.dot_dimension_numbers<[1], [0], [0], [1], [0, 0, 1, 1], [], []>, transpose_lhs_hint = false} : vector<10000x128xf32>, vector<128x8xf32>, vector<10000x8xf32> -> vector<10000x8xf32>
    %broadcast_in_dim3A = vector.shape_cast %rsqrt3A : vector<10000xf32> to vector<10000x1xf32>
    %mul3A = vector.broadcast %broadcast_in_dim3A : vector<10000x1xf32> to vector<10000x8xf32>
    %mul3A_36 = arith.mulf %dot_general3A_35, %mul3A : vector<10000x8xf32>
    %swap3A_37 = arith.constant 0 : index
    %swap3A_38 = arith.constant 0 : index
    %swap3A_39 = vector.load %arg3[%swap3A_37, %swap3A_38] : memref<10001x8xf32, #tpu.memory_space<vmem>>, vector<10000x8xf32>
    tpu.vector_store %arg3[%swap3A_37, %swap3A_38], %mul3A_36 {strides = array<i32>} : memref<10001x8xf32, #tpu.memory_space<vmem>>, vector<10000x8xf32>,
    %broadcast_in_dim3A_40 = arith.constant 0.000000e+00 : f32
    %broadcast_in_dim3A_41 = vector.broadcast %broadcast_in_dim3A_40 : f32 to vector<1x8xf32>
    %swap3A_42 = arith.constant 10000 : index
    %swap3A_43 = arith.constant 0 : index
    %swap3A_44 = vector.load %arg3[%swap3A_42, %swap3A_43] : memref<10001x8xf32, #tpu.memory_space<vmem>>, vector<1x8xf32>
    tpu.vector_store %arg3[%swap3A_42, %swap3A_43], %broadcast_in_dim3A_41 {strides = array<i32>} : memref<10001x8xf32, #tpu.memory_space<vmem>>, vector<1x8xf32>,
    return
  }
}

module attributes {stable_mosaic.version = 14 : i64} {
  func.func @_tc_b_body(%arg0: memref<2x10001x8xf32, #tpu.memory_space<vmem>>, %arg1: memref<10000xf32, #tpu.memory_space<vmem>>, %arg2: memref<10000xf32, #tpu.memory_space<vmem>>, %arg3: memref<1x8xf32, #tpu.memory_space<vmem>>, %arg4: memref<8x16xf32, #tpu.memory_space<vmem>>, %arg5: memref<10001xf32, #tpu.memory_space<vmem>>) attributes {dimension_semantics = [], scalar_prefetch = 0 : i64, scratch_operands = 0 : i64, tpu.core_type = #tpu.core_type<tc>} {
    %get3A = arith.constant 0 : index
    %get3A_0 = arith.constant 0 : index
    %get3A_1 = arith.constant 0 : index
    %get3A_2 = vector.load %arg0[%get3A, %get3A_0, %get3A_1] : memref<2x10001x8xf32, #tpu.memory_space<vmem>>, vector<1x10000x8xf32>
    %get3A_3 = vector.shape_cast %get3A_2 : vector<1x10000x8xf32> to vector<10000x8xf32>
    %get3A_4 = arith.constant 1 : index
    %get3A_5 = arith.constant 0 : index
    %get3A_6 = arith.constant 0 : index
    %get3A_7 = vector.load %arg0[%get3A_4, %get3A_5, %get3A_6] : memref<2x10001x8xf32, #tpu.memory_space<vmem>>, vector<1x10000x8xf32>
    %get3A_8 = vector.shape_cast %get3A_7 : vector<1x10000x8xf32> to vector<10000x8xf32>
    %add3A = arith.addf %get3A_3, %get3A_8 : vector<10000x8xf32>
    %get3A_9 = arith.constant 0 : index
    %get3A_10 = vector.load %arg2[%get3A_9] : memref<10000xf32, #tpu.memory_space<vmem>>, vector<10000xf32>
    %broadcast_in_dim3A = vector.shape_cast %get3A_10 : vector<10000xf32> to vector<10000x1xf32>
    %mul3A = vector.broadcast %broadcast_in_dim3A : vector<10000x1xf32> to vector<10000x8xf32>
    %mul3A_11 = arith.mulf %add3A, %mul3A : vector<10000x8xf32>
    %get3A_12 = arith.constant 0 : index
    %get3A_13 = arith.constant 0 : index
    %get3A_14 = vector.load %arg3[%get3A_12, %get3A_13] : memref<1x8xf32, #tpu.memory_space<vmem>>, vector<1x8xf32>
    %add3A_15 = vector.broadcast %get3A_14 : vector<1x8xf32> to vector<10000x8xf32>
    %add3A_16 = arith.addf %mul3A_11, %add3A_15 : vector<10000x8xf32>
    %gt3A = arith.constant 0.000000e+00 : f32
    %gt3A_17 = vector.broadcast %gt3A : f32 to vector<10000x8xf32>
    %gt3A_18 = arith.cmpf ogt, %add3A_16, %gt3A_17 : vector<10000x8xf32>
    %min3A = arith.constant 0.000000e+00 : f32
    %min3A_19 = vector.broadcast %min3A : f32 to vector<10000x8xf32>
    %min3A_20 = arith.minimumf %add3A_16, %min3A_19 : vector<10000x8xf32>
    %exp3A = math.exp %min3A_20 : vector<10000x8xf32>
    %sub3A = arith.constant 1.000000e+00 : f32
    %sub3A_21 = vector.broadcast %sub3A : f32 to vector<10000x8xf32>
    %sub3A_22 = arith.subf %exp3A, %sub3A_21 : vector<10000x8xf32>
    %select_n3A = arith.select %gt3A_18, %add3A_16, %sub3A_22 : vector<10000x8xi1>, vector<10000x8xf32>
    %get3A_23 = arith.constant 0 : index
    %get3A_24 = arith.constant 0 : index
    %get3A_25 = vector.load %arg4[%get3A_23, %get3A_24] : memref<8x16xf32, #tpu.memory_space<vmem>>, vector<8x16xf32>
    %reduce_sum3A = arith.constant dense<0.000000e+00> : vector<8xf32>
    %reduce_sum3A_26 = vector.multi_reduction <add>, %get3A_25, %reduce_sum3A [1] : vector<8x16xf32> to vector<8xf32>
    %div3A = arith.constant 1.600000e+01 : f32
    %div3A_27 = vector.broadcast %div3A : f32 to vector<8xf32>
    %div3A_28 = arith.divf %reduce_sum3A_26, %div3A_27 : vector<8xf32>
    %broadcast_in_dim3A_29 = vector.shape_cast %div3A_28 : vector<8xf32> to vector<1x8xf32>
    %mul3A_30 = vector.broadcast %broadcast_in_dim3A_29 : vector<1x8xf32> to vector<10000x8xf32>
    %mul3A_31 = arith.mulf %select_n3A, %mul3A_30 : vector<10000x8xf32>
    %reduce_sum3A_32 = arith.constant dense<0.000000e+00> : vector<10000xf32>
    %reduce_sum3A_33 = vector.multi_reduction <add>, %mul3A_31, %reduce_sum3A_32 [1] : vector<10000x8xf32> to vector<10000xf32>
    %get3A_34 = arith.constant 0 : index
    %get3A_35 = vector.load %arg1[%get3A_34] : memref<10000xf32, #tpu.memory_space<vmem>>, vector<10000xf32>
    %mul3A_36 = arith.mulf %reduce_sum3A_33, %get3A_35 : vector<10000xf32>
    %swap3A = arith.constant 0 : index
    %swap3A_37 = vector.load %arg5[%swap3A] : memref<10001xf32, #tpu.memory_space<vmem>>, vector<10000xf32>
    tpu.vector_store %arg5[%swap3A], %mul3A_36 {strides = array<i32>} : memref<10001xf32, #tpu.memory_space<vmem>>, vector<10000xf32>,
    %broadcast_in_dim3A_38 = arith.constant 0.000000e+00 : f32
    %broadcast_in_dim3A_39 = vector.broadcast %broadcast_in_dim3A_38 : f32 to vector<1xf32>
    %swap3A_40 = arith.constant 10000 : index
    %swap3A_41 = vector.load %arg5[%swap3A_40] : memref<10001xf32, #tpu.memory_space<vmem>>, vector<1xf32>
    tpu.vector_store %arg5[%swap3A_40], %broadcast_in_dim3A_39 {strides = array<i32>} : memref<10001xf32, #tpu.memory_space<vmem>>, vector<1xf32>,
    return
  }
}

module attributes {stable_mosaic.version = 14 : i64} {
  func.func @_tc_c_body(%arg0: memref<2x10001xf32, #tpu.memory_space<vmem>>, %arg1: memref<10000xf32, #tpu.memory_space<vmem>>, %arg2: memref<1x16xf32, #tpu.memory_space<vmem>>, %arg3: memref<10000xf32, #tpu.memory_space<vmem>>) attributes {dimension_semantics = [], scalar_prefetch = 0 : i64, scratch_operands = 0 : i64, tpu.core_type = #tpu.core_type<tc>} {
    %get3A = arith.constant 0 : index
    %get3A_0 = arith.constant 0 : index
    %get3A_1 = vector.load %arg0[%get3A, %get3A_0] : memref<2x10001xf32, #tpu.memory_space<vmem>>, vector<1x10000xf32>
    %get3A_2 = vector.shape_cast %get3A_1 : vector<1x10000xf32> to vector<10000xf32>
    %get3A_3 = arith.constant 1 : index
    %get3A_4 = arith.constant 0 : index
    %get3A_5 = vector.load %arg0[%get3A_3, %get3A_4] : memref<2x10001xf32, #tpu.memory_space<vmem>>, vector<1x10000xf32>
    %get3A_6 = vector.shape_cast %get3A_5 : vector<1x10000xf32> to vector<10000xf32>
    %add3A = arith.addf %get3A_2, %get3A_6 : vector<10000xf32>
    %get3A_7 = arith.constant 0 : index
    %get3A_8 = vector.load %arg1[%get3A_7] : memref<10000xf32, #tpu.memory_space<vmem>>, vector<10000xf32>
    %mul3A = arith.mulf %add3A, %get3A_8 : vector<10000xf32>
    %get3A_9 = arith.constant 0 : index
    %get3A_10 = arith.constant 0 : index
    %get3A_11 = vector.load %arg2[%get3A_9, %get3A_10] : memref<1x16xf32, #tpu.memory_space<vmem>>, vector<1x16xf32>
    %reduce_sum3A = vector.shape_cast %get3A_11 : vector<1x16xf32> to vector<1x1x16xf32>
    %reduce_sum3A_12 = arith.constant dense<0.000000e+00> : vector<1xf32>
    %reduce_sum3A_13 = vector.multi_reduction <add>, %reduce_sum3A, %reduce_sum3A_12 [1, 2] : vector<1x1x16xf32> to vector<1xf32>
    %reduce_sum3A_14 = vector.shape_cast %reduce_sum3A_13 : vector<1xf32> to vector<1x1x1xf32>
    %reduce_sum3A_15 = vector.extract %reduce_sum3A_14[0, 0, 0] : f32 from vector<1x1x1xf32>
    %div3A = arith.constant 1.600000e+01 : f32
    %div3A_16 = arith.divf %reduce_sum3A_15, %div3A : f32
    %add3A_17 = vector.broadcast %div3A_16 : f32 to vector<10000xf32>
    %add3A_18 = arith.addf %mul3A, %add3A_17 : vector<10000xf32>
    %swap3A = arith.constant 0 : index
    %swap3A_19 = vector.load %arg3[%swap3A] : memref<10000xf32, #tpu.memory_space<vmem>>, vector<10000xf32>
    tpu.vector_store %arg3[%swap3A], %add3A_18 {strides = array<i32>} : memref<10000xf32, #tpu.memory_space<vmem>>, vector<10000xf32>,
    return
  }
}

</mosaic_0001>

<sc_bundles>
// kernel: kernel.11.cloned.1.call-start
scs
__scs_entry_jumppad:
0x0: {  	(pc) =	sbr.rel $0x88, $3  }
0x1: {  	(tag) =	ssettag $0x0;
	lr =	simm.s32 $0x1  }
0x2: {  	[smem:$0x3F9B] =	sst lr;
	_ =	strace $0xD0000000  }
0x3: {  	_ = 	snop  }
0x4: {  	_ = 	snop  }
0x5: {  	_ = 	snop  }
0x6: {  	_ = 	snop  }
0x7: {  	_ = 	snop  }
__scs_overlays_trampoline_lowered:
0x8: {  	[smem:$0x3FAA] =	sst s0  }
0x9: {  	[smem:$0x3FAB] =	sst s1  }
0xa: {  	[smem:$0x3FAC] =	sst s2  }
0xb: {  	[smem:$0x3FAD] =	sst s3  }
0xc: {  	[smem:$0x3FAE] =	sst s4  }
0xd: {  	[smem:$0x3FAF] =	sst s5  }
0xe: {  	[smem:$0x3FB0] =	sst s6  }
0xf: {  	[smem:$0x3FB1] =	sst s7  }
0x10: {  	[smem:$0x3FB2] =	sst s8  }
0x11: {  	[smem:$0x3FB3] =	sst s9;
	s0 =	simm.s32 @!p0 $0x0  }
0x12: {  	s1 =	sld [smem:$0x3F99];
	s0 =	simm.s32 @p0 $0x1  }
0x13: {  	[smem:$0x3FB4] =	sst s0;
	s0 =	simm.s32 @!p1 $0x0  }
0x14: {  	s2 =	sld [smem:$0x3F98];
	s0 =	simm.s32 @p1 $0x1  }
0x15: {  	[smem:$0x3FB5] =	sst s0;
	s0 =	simm.s32 @!p2 $0x0  }
0x16: {  	s3 =	sld [smem:$0x3FDB];
	s0 =	simm.s32 @p2 $0x1  }
0x17: {  	s4 =	simm.s32 $0x1BF5;
	[smem:$0x3FB7] =	sst s0  }
0x18: {  	s0 =	sld [smem:$0x3F9A];
	_ =	swait.ge [sflag:s4], $0x0  }
0x19: {  	s7 =	sld [smem:$0x3F9B]  }
0x1a: {  	s8 =	sadd.s32 $0xFFFFE003, lr  }
0x1b: {  	s9 =	sadd.s32 $0xFFFFFEF7, lr;
	s5 =	simm.s32 $0xFFFFFFFF;
	p2 =	slt.u32 s8, $0xFFFFF086  }
0x1c: {  	p1 =	slt.u32 s9, $0xF7A;
	s5 =	simm.s32 @!p2 $0x0  }
0x1d: {  	s5 =	simm.s32 @p1 $0x1;
	p0 =	seq.s32 s7, s2  }
0x1e: {  	s7 =	smul.u32 @!p0 $0xF7A, s2;
	p2 =	seq.s32 @!p0 s5, $0x0  }
0x1f: {  	s9 =	smul.u32 $0xF7A, s1;
	s8 =	simm.s32 @!p0 $0x1BF5;
	p2 =	por !p2, p0  }
0x20: {  	[sflag:s8] =	ssyncset.s32 @!p0 $0xFFFFF086;
	s6 =	sadd.s32 @!p0 s3, s7;
	s7 =	simm.s32 @!p0 $0x108  }
0x21: {  	s3 =	sadd.s32 s3, s9;
	s6 =	sadd.s32 @!p0 $0x88, s6;
	s7 =	simm.s32 @p2 $0x1082  }
0x22: {  	[simem:s7], [sflag:s8] =	dma.local @!p0 [hbm:s6], $0xF7A  }
0x23: {  	s9 =	sor.u32 $0xD0000000, s2;
	s6 =	simm.s32 $0x108;
	_ =	swait.ge @!p0 [sflag:s8], $0x0  }
0x24: {  	s3 =	sadd.s32 $0x88, s3;
	s6 =	simm.s32 @!p1 $0x1082;
	[sflag:s4] =	ssyncset.s32 $0xFFFFF086  }
0x25: {  	[simem:s6], [sflag:s4] =	dma.local [hbm:s3], $0xF7A  }
0x26: {  	[smem:$0x3F9B] =	sst s1;
	(tag) =	ssettag s2;
	_ =	strace s9  }
0x27: {  	s1 =	sld [smem:$0x3FAB]  }
0x28: {  	s2 =	sld [smem:$0x3FAC]  }
0x29: {  	s4 =	sld [smem:$0x3FAE]  }
0x2a: {  	p0 =	seq.s32 s5, $0x0;
	s5 =	sld [smem:$0x3FAF]  }
0x2b: {  	s6 =	sld [smem:$0x3FB0]  }
0x2c: {  	s7 =	sld [smem:$0x3FB1]  }
0x2d: {  	s3 =	simm.s32 $0x108;
	s8 =	sld [smem:$0x3FB2]  }
0x2e: {  	s3 =	simm.s32 @!p0 $0x1082;
	s9 =	sld [smem:$0x3FB3]  }
0x2f: {  	lr =	sadd.s32 s0, s3;
	s0 =	sld [smem:$0x3FAA]  }
0x30: {  	s3 =	sld [smem:$0x3FAD]  }
0x31: {  	[smem:$0x3FB6] =	sst s10  }
0x32: {  	s10 =	sld [smem:$0x3FB4];
	_ =	sdelay $0x3  }
0x33: {  	p0 =	seq.s32 s10, $0x1;
	s10 =	sld [smem:$0x3FB6];
	_ =	sdelay $0x3  }
0x34: {  	[smem:$0x3FB6] =	sst s10  }
0x35: {  	s10 =	sld [smem:$0x3FB5];
	_ =	sdelay $0x3  }
0x36: {  	p1 =	seq.s32 s10, $0x1;
	s10 =	sld [smem:$0x3FB6];
	_ =	sdelay $0x3  }
0x37: {  	[smem:$0x3FB6] =	sst s10  }
0x38: {  	s10 =	sld [smem:$0x3FB7]  }
0x39: {  	_ = 	snop;
	(pc) =	sbr.ind lr, $3  }
0x3a: {  	_ = 	snop  }
0x3b: {  	_ = 	snop  }
0x3c: {  	p2 =	seq.s32 s10, $0x1;
	s10 =	sld [smem:$0x3FB6]  }
0x3d: {  	_ =	shalt  }
0x3e: {  	_ =	shalt  }
0x3f: {  	_ =	shalt  }
0x40: {  	_ =	shalt  }
0x41: {  	_ =	shalt  }
0x42: {  	_ =	shalt  }
0x43: {  	_ =	shalt  }
0x44: {  	_ =	shalt  }
0x45: {  	_ =	shalt  }
0x46: {  	_ =	shalt  }
0x47: {  	_ =	shalt  }
0x48: {  	_ =	shalt  }
0x49: {  	_ =	shalt  }
0x4a: {  	_ =	shalt  }
0x4b: {  	_ =	shalt  }
0x4c: {  	_ =	shalt  }
0x4d: {  	_ =	shalt  }
0x4e: {  	_ =	shalt  }
0x4f: {  	_ =	shalt  }
0x50: {  	_ =	shalt  }
0x51: {  	_ =	shalt  }
0x52: {  	_ =	shalt  }
0x53: {  	_ =	shalt  }
0x54: {  	_ =	shalt  }
0x55: {  	_ =	shalt  }
0x56: {  	_ =	shalt  }
0x57: {  	_ =	shalt  }
0x58: {  	_ =	shalt  }
0x59: {  	_ =	shalt  }
0x5a: {  	_ =	shalt  }
0x5b: {  	_ =	shalt  }
0x5c: {  	_ =	shalt  }
0x5d: {  	_ =	shalt  }
0x5e: {  	_ =	shalt  }
0x5f: {  	_ =	shalt  }
0x60: {  	_ =	shalt  }
0x61: {  	_ =	shalt  }
0x62: {  	_ =	shalt  }
0x63: {  	_ =	shalt  }
0x64: {  	_ =	shalt  }
0x65: {  	_ =	shalt  }
0x66: {  	_ =	shalt  }
0x67: {  	_ =	shalt  }
0x68: {  	_ =	shalt  }
0x69: {  	_ =	shalt  }
0x6a: {  	_ =	shalt  }
0x6b: {  	_ =	shalt  }
0x6c: {  	_ =	shalt  }
0x6d: {  	_ =	shalt  }
0x6e: {  	_ =	shalt  }
0x6f: {  	_ =	shalt  }
0x70: {  	_ =	shalt  }
0x71: {  	_ =	shalt  }
0x72: {  	_ =	shalt  }
0x73: {  	_ =	shalt  }
0x74: {  	_ =	shalt  }
0x75: {  	_ =	shalt  }
0x76: {  	_ =	shalt  }
0x77: {  	_ =	shalt  }
0x78: {  	_ =	shalt  }
0x79: {  	_ =	shalt  }
0x7a: {  	_ =	shalt  }
0x7b: {  	_ =	shalt  }
0x7c: {  	_ =	shalt  }
0x7d: {  	_ =	shalt  }
0x7e: {  	_ =	shalt  }
0x7f: {  	_ =	shalt  }
0x80: {  	_ =	shalt  }
0x81: {  	_ =	shalt  }
0x82: {  	_ =	shalt  }
0x83: {  	_ =	shalt  }
0x84: {  	_ =	shalt  }
0x85: {  	_ =	shalt  }
0x86: {  	_ =	shalt  }
0x87: {  	_ =	shalt  }
.Lfunc_end0:
.L_simem_size_0:
called_computation.1_lowered:
.L_overlay_start_0:
0x88: {  	s2 =	sld [smem:$0x3FD9]  }
0x89: {  	s3 =	sld [smem:$0x3FFE];
	_ =	sdelay $0x1  }
0x8a: {  	s1 =	srdreg.scid  }
0x8b: {  	s0 =	sand.u32 $0x1, s1  }
0x8c: {  	s16 =	sshll.u32 s0, $0xA;
	s2 =	sadd.s32 s3, s2  }
0x8d: {  	s2 =	sadd.s32 s2, s16  }
0x8e: {  	[smem:$0x3FC2] =	sst s2  }
0x8f: {  	_ = 	snop  }
0x90: {  	(tm) =	ssettm $0x1  }
0x91: {  	s17 =	sld [smem:$0x3FFB];
	_ =	sdelay $0x3  }
0x92: {  	_ =	strace s17  }
0x93: {  	s2 =	sld [smem:$0x3FFC];
	_ =	sdelay $0x3  }
0x94: {  	_ =	strace s2  }
0x95: {  	s2 =	sld [smem:$0x3FFD];
	_ =	sdelay $0x3  }
0x96: {  	_ =	strace s2  }
0x97: {  	_ =	strace $0x8FFFFFFF  }
0x98: {  	s18 =	sld [smem:$0x3FDB];
	_ =	sdelay $0x1  }
0x99: {  	s19 =	simm.s32 $_scs_section_size  }
0x9a: {  	s4 =	simm.s32 $_size__tile_overlayer_lowered;
	s5 =	simm.s32 $_tile_overlayer_lowered  }
0x9b: {  	s22 =	simm.s32 $0x1BFF;
	s21 =	sshll.u32 s5, $0x1;
	s2 =	sadd.s32 s19, s18  }
0x9c: {  	s6 =	simm.s32 $0x0;
	s20 =	sshll.u32 s4, $0x1;
	s4 =	sadd.s32 s21, s2  }
0x9d: {  	[timem:s6], [sflag:s22] =	dma.local [hbm:s4], s20  }
0x9e: {  	_ =	swait.ge [sflag:s22], s20  }
0x9f: {  	s3 =	ssub.s32 $0x0, s20;
	[sflag:s22] =	ssyncset.done $0x0  }
0xa0: {  	[sflag:s22] =	ssyncadd.s32 s3;
	_ =	sdelay $0x1  }
0xa1: {  	s23 =	simm.s32 $0x1B8B  }
0xa2: {  	_ =	swait.ge [sflag:s23], $0x1  }
0xa3: {  	[sflag:s23] =	ssyncset.done $0x0  }
0xa4: {  	s25 =	simm.s32 $0x1B8E;
	s24 =	sld [smem:$0x3FFE];
	[sflag:s23] =	ssyncadd.s32 $0xFFFFFFFF  }
0xa5: {  	s26 =	simm.s32 $execute0_lowered;
	[smem:$0x3FD2] =	sst s25  }
0xa6: {  	s4 =	sshll.u32 s26, $0x1;
	_ =	strace $0x80000049;
	[dreg:$0x1] =	wrdreg $0xFFFFFFFF  }
0xa7: {  	s28 =	simm.s32 $_size_execute0_lowered;
	s2 =	sadd.s32 s2, s4;
	[dreg:$0x0] =	wrdreg $0x0  }
0xa8: {  	s4 =	sshll.u32 s28, $0x1;
	[dreg:$0x2] =	wrdreg s2  }
0xa9: {  	[dreg:$0x3] =	wrdreg s4  }
0xaa: {  	[dreg:$0x4] =	wrdreg $0xC0  }
0xab: {  	_ =	task [dreg:s6], $0x5FFFF  }
0xac: {  	[dreg:$0x1] =	wrdreg $0xFFFFFFFF  }
0xad: {  	[dreg:$0x0] =	wrdreg $0x60  }
0xae: {  	[dreg:$0x2] =	wrdreg s24  }
0xaf: {  	[dreg:$0x3] =	wrdreg $0x6A900  }
0xb0: {  	[dreg:$0x4] =	wrdreg $0x57000  }
0xb1: {  	[dreg:$0x5] =	wrdreg $0x9  }
0xb2: {  	_ =	task.clear_ibuf [dreg:s6], $0x6FFFF;
	_ =	strace $0x90000049  }
0xb3: {  	s29 =	simm.s32 $0x9;
	_ =	strace $0x8000004B  }
0xb4: {  	_ =	swait.ge [sflag:s29], $0x1  }
0xb5: {  	[sflag:s29] =	ssyncadd.s32 $0xFFFFFFFF  }
0xb6: {  	_ =	strace $0x9000004B  }
0xb7: {  	_ =	sfence  }
0xb8: {  	s30 =	sld [smem:$0x0];
	_ =	sdelay $0x2  }
0xb9: {  	s31 =	sshll.u32 s1, $0xD;
	s1 =	sshrl.u32 s1, $0x2  }
0xba: {  	s3 =	sand.u32 $0x4000, s31;
	s1 =	sadd.s32 s1, s30  }
0xbb: {  	s0 =	sor.u32 s3, s0;
	s1 =	sshll.u32 s1, $0x11  }
0xbc: {  	s0 =	sor.u32 s1, s0  }
0xbd: {  	s0 =	sadd.s32 $0x8F2B, s0  }
0xbe: {  	[sflag:s0] =	ssyncadd.remote.s32 $0x1  }
0xbf: {  	_ =	sfence.sel $0xFFFF  }
0xc0: {  	[dreg:$0x0] =	wrdreg $0xFFFFFFFF;
	(pc) =	sbr.abs _section_cstart, $3  }
0xc1: {  	[dreg:$0x1] =	wrdreg $0xFFFFFFFF  }
0xc2: {  	_ =	task.clear_ibuf [dreg:s6], $0x2FFFF;
	_ =	strace $0x9FFFFFFF  }
0xc3: {  	(tm) =	ssettm $0x7FFFFFFF  }
tec
execute0_lowered:
.L_overlay_start_1:
0x0: {  	(tag) =	ssettag $0x1  }
0x1: {  	s6 =	rddreg [dreg:$0x0]  }
0x2: {  	s0 =	rddreg [dreg:$0x1];
	s1 =	srdreg.scid  }
0x3: {  	s18 =	stileid.u32;
	s2 =	rddreg [dreg:$0x2];
	s3 =	simm.s32 $0x0  }
0x4: {  	s12 =	simm.s32 $0x5;
	s13 =	simm.s32 $0x2780;
	s14 =	simm.s32 $0x80  }
0x5: {  	s15 =	simm.s32 $0x4F00;
	s16 =	simm.s32 $0x5300;
	s17 =	simm.s32 $0x1  }
0x6: {  	s19 =	simm.s32 $0x3;
	s20 =	simm.s32 $0x1C05;
	s21 =	simm.s32 $0x0  }
0x7: {  	s4 =	sand.u32 $0x1, s1;
	s5 =	sshll.u32 s18, $0x1;
	s1 =	rddreg [dreg:$0x3]  }
0x8: {  	[smem:$0x7FF] =	sst s3;
	p0 =	seq.s32 s18, $0x1;
	p1 =	sne.s32 s18, $0x0  }
0x9: {  	s18 =	simm.s32 $0x4E80;
	s5 =	sor.u32 s4, s5;
	s7 =	smul.u32 $0x2711, s4  }
0xa: {  	_ =	strace $0x8000004A;
	s8 =	ssub.s32 $0x2, s4;
	s5 =	smul.u32 $0x4F0, s5  }
0xb: {  	s4 =	sadd.s32 $0x15E00, s6;
	s10 =	sshrl.u32 s8, $0x1;
	s11 =	sadd.s32 s7, s6  }
0xc: {  	s10 =	ssub.s32 s8, s10;
	s9 =	sadd.s32 s5, s6;
	s5 =	sadd.s32 $0x18600, s6  }
0xd: {  	s8 =	sadd.s32 $0x1AE00, s11;
	s11 =	simm.s32 $0x1C45;
	s6 =	sadd.s32 $0xC000, s9  }
0xe: {  	s7 =	sadd.s32 $0x2200, s9;
	s9 =	smax.u32 s10, $0x1;
	s10 =	sshrl.u32 s2, $0x3  }
.LBB2_1:
.Ltmp0:
0xf: {  	(pc) =	sbr.rel @p0 .LBB2_4-.Ltmp0, $1  }
0x10: {  	_ =	sdelay $0x3  }
.Ltmp1:
0x11: {  	(pc) =	sbr.rel @p1 .LBB2_6-.Ltmp1, $1  }
0x12: {  	_ =	sdelay $0x3  }
.Ltmp2:
0x13: {  	(pc) =	sbr.rel .LBB2_5-.Ltmp2, $3  }
0x14: {  	_ =	sdelay $0x1  }
0x15: {  	s22 =	sshrl.u32 s0, $0x3  }
0x16: {  	[spmem:s22], [sflag:s20] =	dma.local [hbm:s5], $0x2711  }
.LBB2_4:
0x17: {  	[spmem:s10], [sflag:s11] =	dma.local [hbm:s4], $0x2711  }
.LBB2_5:
0x18: {  	_ =	swait.ge [sflag:s12], $0x2711  }
0x19: {  	[sflag:s12] =	ssyncset.done $0x0  }
0x1a: {  	[sflag:s12] =	ssyncadd.s32 $0xFFFFD8EF  }
.LBB2_6:
0x1b: {  	[bflag:$0x0] =	sbarrier.arrive $0xFFFF  }
0x1c: {  	[tilespmem:s3], [sflag:$0x5] =	stream.linear.gather [hbm4b:s6+s3], $0x2780, $0x38;
	[tilespmem:$0x7E20] =	vst v63  }
0x1d: {  	_ =	swait.ge [sflag:s12], $0x2780  }
0x1e: {  	[sflag:s12] =	ssyncset.done $0x0  }
0x1f: {  	[sflag:s12] =	ssyncadd.s32 $0xFFFFD880  }
0x20: {  	[tilespmem:s13], [sflag:$0x5] =	stream.linear.gather [hbm4b:s7+s3], $0x2780, $0x38;
	[tilespmem:$0x7E20] =	vst v63  }
0x21: {  	_ =	swait.ge [sflag:s12], $0x2780  }
0x22: {  	[sflag:s12] =	ssyncset.done $0x0  }
0x23: {  	[sflag:s12] =	ssyncadd.s32 $0xFFFFD880  }
0x24: {  	[tilespmem:s15], [sflag:$0x1] =	stream.indirect.gather [spmem:s2], $0x8, s3, s14, $0xb8;
	[tilespmem:$0x7E20] =	vst v63  }
0x25: {  	_ = 	snop  }
0x26: {  	[tilespmem:s16], [sflag:$0x2] =	stream.indirect.gather [spmem:s2], $0x8, s14, s14, $0xb8;
	[tilespmem:$0x7E20] =	vst v63  }
0x27: {  	s22 =	simm.s32 $0x2;
	s26 =	simm.s32 $0x1;
	_ =	swait.ge [sflag:s17], $0x400  }
0x28: {  	s23 =	sand.u32 $0x1, s22;
	s22 =	simm.s32 $0x100;
	[sflag:s17] =	ssyncset.done $0x0  }
0x29: {  	s29 =	sand.u32 $0x1, s26;
	s24 =	sadd.s32 $0x3, s23;
	[sflag:s17] =	ssyncadd.s32 $0xFFFFFC00  }
0x2a: {  	[spmem:s0] =	stream.indirect.scatter.add.f32 [tilespmem:s15], [sflag:$0x3], $0x8, s13, s14, $0xb8;
	[tilespmem:$0x7E20] =	vst v63  }
0x2b: {  	s25 =	sshll.u32 s23, $0xA;
	s23 =	sadd.s32 $0x1, s23;
	_ =	swait.ge [sflag:s24], $0x400  }
0x2c: {  	s26 =	sadd.s32 $0x1, s29;
	s31 =	sshll.u32 s29, $0xA;
	[sflag:s24] =	ssyncset.done $0x0  }
0x2d: {  	s29 =	sadd.s32 $0x3, s29;
	s30 =	sadd.s32 $0x4F00, s25;
	[sflag:s24] =	ssyncadd.s32 $0xFFFFFC00  }
0x2e: {  	[tilespmem:s30], [sflag:s23] =	stream.indirect.gather [spmem:s2], $0x8, s22, s14, $0xb8;
	[tilespmem:$0x7E20] =	vst v63  }
0x2f: {  	s28 =	sadd.s32 $0x4F00, s31;
	s25 =	simm.s32 $0x2800;
	_ =	swait.ge [sflag:s26], $0x400  }
0x30: {  	s24 =	simm.s32 $0x3;
	s23 =	simm.s32 $0x2800;
	[sflag:s26] =	ssyncset.done $0x0  }
.LBB2_7:
0x31: {  	[sflag:s26] =	ssyncadd.s32 $0xFFFFFC00  }
0x32: {  	s23 =	sadd.s32 $0x80, s23;
	s22 =	sadd.s32 $0x80, s22;
	s26 =	smov.u32 s24  }
0x33: {  	[spmem:s0] =	stream.indirect.scatter.add.f32 [tilespmem:s28], [sflag:s29], $0x8, s25, s14, $0xb8;
	[tilespmem:$0x7E20] =	vst v63  }
0x34: {  	p2 =	sne.s32 s24, $0x4E;
	s24 =	sadd.s32 $0x1, s24;
	s28 =	sand.u32 $0x1, s26  }
0x35: {  	s25 =	smov.u32 s23;
	s29 =	sadd.s32 $0x3, s28;
	s30 =	sshll.u32 s28, $0xA  }
0x36: {  	s26 =	sadd.s32 $0xFFFFFFFF, s26;
	_ =	swait.ge [sflag:s29], $0x400  }
0x37: {  	s28 =	sadd.s32 $0x1, s28;
	s31 =	sand.u32 $0x1, s26;
	[sflag:s29] =	ssyncset.done $0x0  }
.Ltmp3:
0x38: {  	s26 =	sadd.s32 $0x4F00, s30;
	[sflag:s29] =	ssyncadd.s32 $0xFFFFFC00;
	(pc) =	sbr.rel @p2 .LBB2_7-.Ltmp3, $4  }
0x39: {  	[tilespmem:s26], [sflag:s28] =	stream.indirect.gather [spmem:s2], $0x8, s22, s14, $0xb8;
	[tilespmem:$0x7E20] =	vst v63  }
0x3a: {  	s26 =	sadd.s32 $0x1, s31;
	s28 =	sshll.u32 s31, $0xA  }
0x3b: {  	_ =	swait.ge [sflag:s26], $0x400  }
0x3c: {  	s29 =	sadd.s32 $0x3, s31;
	s28 =	sadd.s32 $0x4F00, s28;
	[sflag:s26] =	ssyncset.done $0x0  }
0x3d: {  	[sflag:s26] =	ssyncadd.s32 $0xFFFFFC00  }
0x3e: {  	[spmem:s0] =	stream.indirect.scatter.add.f32 [tilespmem:s28], [sflag:s29], $0x8, s25, s14, $0xb8;
	[tilespmem:$0x7E20] =	vst v63  }
0x3f: {  	_ =	swait.ge [sflag:s29], $0x400  }
0x40: {  	[sflag:s29] =	ssyncset.done $0x0  }
0x41: {  	[sflag:s29] =	ssyncadd.s32 $0xFFFFFC00  }
0x42: {  	_ =	swait.ge [sflag:s17], $0x400  }
0x43: {  	[sflag:s17] =	ssyncset.done $0x0  }
0x44: {  	[sflag:s17] =	ssyncadd.s32 $0xFFFFFC00  }
0x45: {  	[spmem:s0] =	stream.indirect.scatter.add.f32 [tilespmem:s15], [sflag:$0x3], $0x8, s18, s14, $0xb8;
	[tilespmem:$0x7E20] =	vst v63  }
0x46: {  	_ =	swait.ge [sflag:s19], $0x400  }
0x47: {  	[sflag:s19] =	ssyncset.done $0x0  }
0x48: {  	s22 =	sshrl.u32 @!p1 s0, $0x3;
	s21 =	sadd.s32 $0x1, s21;
	[sflag:s19] =	ssyncadd.s32 $0xFFFFFC00  }
0x49: {  	s23 =	simm.s32 @!p1 $0x1C05;
	p2 =	sne.s32 s21, s9;
	[bflag:$0x0] =	sbarrier.arrive $0xFFFF  }
0x4a: {  	[hbm:s8], [sflag:s23] =	dma.local @!p1 [spmem:s22], $0x2711  }
.Ltmp4:
0x4b: {  	_ = 	snop;
	(pc) =	sbr.rel @p2 .LBB2_1-.Ltmp4, $4  }
0x4c: {  	s22 =	simm.s32 @!p1 $0x5  }
0x4d: {  	_ =	swait.ge @!p1 [sflag:s22], $0x2711  }
0x4e: {  	[sflag:s22] =	ssyncset.done @!p1 $0x0  }
0x4f: {  	[sflag:s22] =	ssyncadd.s32 @!p1 $0xFFFFD8EF  }
0x50: {  	_ =	sfence.sel $0x180000  }
0x51: {  	[bflag:$0x0] =	sbarrier.arrive $0xFFFF  }
0x52: {  	_ =	strace $0x9000004A  }
0x53: {  	s0 =	sadd.s32 @!p1 $0x100000, s1;
	[bflag:$0x2] =	sbarrier.arrive $0xFFFF  }
0x54: {  	[sflag:s0] =	ssyncadd.tile.s32 @!p1 $0x1;
	_ =	shalt  }
.Lfunc_end2:
_tile_overlayer_lowered:
.L_overlay_start_2:
0x55: {  	(tag) =	ssettag $0x2  }
0x56: {  	s0 =	rddreg [dreg:$0x0];
	s2 =	stileid.u32  }
0x57: {  	s1 =	rddreg [dreg:$0x1];
	p0 =	sne.s32 s2, $0x0  }
0x58: {  	s3 =	rddreg [dreg:$0x2];
	[bflag:$0x3] =	sbarrier.arrive $0xFFFF;
	s2 =	simm.s32 @!p0 $0x1C05  }
0x59: {  	[timem:s3], [sflag:s2] =	dma.local @!p0 [hbm:s0], s1  }
0x5a: {  	s0 =	simm.s32 @!p0 $0x5  }
0x5b: {  	_ =	swait.ge @!p0 [sflag:s0], s1  }
0x5c: {  	s1 =	ssub.s32 @!p0 $0x0, s1;
	[sflag:s0] =	ssyncset.done @!p0 $0x0  }
0x5d: {  	[sflag:s0] =	ssyncadd.s32 @!p0 s1  }
0x5e: {  	[bflag:$0x3] =	sbarrier.arrive $0xFFFF  }
0x5f: {  	_ =	shalt  }

// kernel: kernel.14.cloned.1.call-start
scs
__scs_entry_jumppad:
0x0: {  	(pc) =	sbr.rel $0x88, $3  }
0x1: {  	(tag) =	ssettag $0x0;
	lr =	simm.s32 $0x1  }
0x2: {  	[smem:$0x3F9B] =	sst lr;
	_ =	strace $0xD0000000  }
0x3: {  	_ = 	snop  }
0x4: {  	_ = 	snop  }
0x5: {  	_ = 	snop  }
0x6: {  	_ = 	snop  }
0x7: {  	_ = 	snop  }
__scs_overlays_trampoline_lowered:
0x8: {  	[smem:$0x3FAA] =	sst s0  }
0x9: {  	[smem:$0x3FAB] =	sst s1  }
0xa: {  	[smem:$0x3FAC] =	sst s2  }
0xb: {  	[smem:$0x3FAD] =	sst s3  }
0xc: {  	[smem:$0x3FAE] =	sst s4  }
0xd: {  	[smem:$0x3FAF] =	sst s5  }
0xe: {  	[smem:$0x3FB0] =	sst s6  }
0xf: {  	[smem:$0x3FB1] =	sst s7  }
0x10: {  	[smem:$0x3FB2] =	sst s8  }
0x11: {  	[smem:$0x3FB3] =	sst s9;
	s0 =	simm.s32 @!p0 $0x0  }
0x12: {  	s1 =	sld [smem:$0x3F99];
	s0 =	simm.s32 @p0 $0x1  }
0x13: {  	[smem:$0x3FB4] =	sst s0;
	s0 =	simm.s32 @!p1 $0x0  }
0x14: {  	s2 =	sld [smem:$0x3F98];
	s0 =	simm.s32 @p1 $0x1  }
0x15: {  	[smem:$0x3FB5] =	sst s0;
	s0 =	simm.s32 @!p2 $0x0  }
0x16: {  	s3 =	sld [smem:$0x3FDB];
	s0 =	simm.s32 @p2 $0x1  }
0x17: {  	s4 =	simm.s32 $0x1BF5;
	[smem:$0x3FB7] =	sst s0  }
0x18: {  	s0 =	sld [smem:$0x3F9A];
	_ =	swait.ge [sflag:s4], $0x0  }
0x19: {  	s7 =	sld [smem:$0x3F9B]  }
0x1a: {  	s8 =	sadd.s32 $0xFFFFE003, lr  }
0x1b: {  	s9 =	sadd.s32 $0xFFFFFEF7, lr;
	s5 =	simm.s32 $0xFFFFFFFF;
	p2 =	slt.u32 s8, $0xFFFFF086  }
0x1c: {  	p1 =	slt.u32 s9, $0xF7A;
	s5 =	simm.s32 @!p2 $0x0  }
0x1d: {  	s5 =	simm.s32 @p1 $0x1;
	p0 =	seq.s32 s7, s2  }
0x1e: {  	s7 =	smul.u32 @!p0 $0xF7A, s2;
	p2 =	seq.s32 @!p0 s5, $0x0  }
0x1f: {  	s9 =	smul.u32 $0xF7A, s1;
	s8 =	simm.s32 @!p0 $0x1BF5;
	p2 =	por !p2, p0  }
0x20: {  	[sflag:s8] =	ssyncset.s32 @!p0 $0xFFFFF086;
	s6 =	sadd.s32 @!p0 s3, s7;
	s7 =	simm.s32 @!p0 $0x108  }
0x21: {  	s3 =	sadd.s32 s3, s9;
	s6 =	sadd.s32 @!p0 $0x88, s6;
	s7 =	simm.s32 @p2 $0x1082  }
0x22: {  	[simem:s7], [sflag:s8] =	dma.local @!p0 [hbm:s6], $0xF7A  }
0x23: {  	s9 =	sor.u32 $0xD0000000, s2;
	s6 =	simm.s32 $0x108;
	_ =	swait.ge @!p0 [sflag:s8], $0x0  }
0x24: {  	s3 =	sadd.s32 $0x88, s3;
	s6 =	simm.s32 @!p1 $0x1082;
	[sflag:s4] =	ssyncset.s32 $0xFFFFF086  }
0x25: {  	[simem:s6], [sflag:s4] =	dma.local [hbm:s3], $0xF7A  }
0x26: {  	[smem:$0x3F9B] =	sst s1;
	(tag) =	ssettag s2;
	_ =	strace s9  }
0x27: {  	s1 =	sld [smem:$0x3FAB]  }
0x28: {  	s2 =	sld [smem:$0x3FAC]  }
0x29: {  	s4 =	sld [smem:$0x3FAE]  }
0x2a: {  	p0 =	seq.s32 s5, $0x0;
	s5 =	sld [smem:$0x3FAF]  }
0x2b: {  	s6 =	sld [smem:$0x3FB0]  }
0x2c: {  	s7 =	sld [smem:$0x3FB1]  }
0x2d: {  	s3 =	simm.s32 $0x108;
	s8 =	sld [smem:$0x3FB2]  }
0x2e: {  	s3 =	simm.s32 @!p0 $0x1082;
	s9 =	sld [smem:$0x3FB3]  }
0x2f: {  	lr =	sadd.s32 s0, s3;
	s0 =	sld [smem:$0x3FAA]  }
0x30: {  	s3 =	sld [smem:$0x3FAD]  }
0x31: {  	[smem:$0x3FB6] =	sst s10  }
0x32: {  	s10 =	sld [smem:$0x3FB4];
	_ =	sdelay $0x3  }
0x33: {  	p0 =	seq.s32 s10, $0x1;
	s10 =	sld [smem:$0x3FB6];
	_ =	sdelay $0x3  }
0x34: {  	[smem:$0x3FB6] =	sst s10  }
0x35: {  	s10 =	sld [smem:$0x3FB5];
	_ =	sdelay $0x3  }
0x36: {  	p1 =	seq.s32 s10, $0x1;
	s10 =	sld [smem:$0x3FB6];
	_ =	sdelay $0x3  }
0x37: {  	[smem:$0x3FB6] =	sst s10  }
0x38: {  	s10 =	sld [smem:$0x3FB7]  }
0x39: {  	_ = 	snop;
	(pc) =	sbr.ind lr, $3  }
0x3a: {  	_ = 	snop  }
0x3b: {  	_ = 	snop  }
0x3c: {  	p2 =	seq.s32 s10, $0x1;
	s10 =	sld [smem:$0x3FB6]  }
0x3d: {  	_ =	shalt  }
0x3e: {  	_ =	shalt  }
0x3f: {  	_ =	shalt  }
0x40: {  	_ =	shalt  }
0x41: {  	_ =	shalt  }
0x42: {  	_ =	shalt  }
0x43: {  	_ =	shalt  }
0x44: {  	_ =	shalt  }
0x45: {  	_ =	shalt  }
0x46: {  	_ =	shalt  }
0x47: {  	_ =	shalt  }
0x48: {  	_ =	shalt  }
0x49: {  	_ =	shalt  }
0x4a: {  	_ =	shalt  }
0x4b: {  	_ =	shalt  }
0x4c: {  	_ =	shalt  }
0x4d: {  	_ =	shalt  }
0x4e: {  	_ =	shalt  }
0x4f: {  	_ =	shalt  }
0x50: {  	_ =	shalt  }
0x51: {  	_ =	shalt  }
0x52: {  	_ =	shalt  }
0x53: {  	_ =	shalt  }
0x54: {  	_ =	shalt  }
0x55: {  	_ =	shalt  }
0x56: {  	_ =	shalt  }
0x57: {  	_ =	shalt  }
0x58: {  	_ =	shalt  }
0x59: {  	_ =	shalt  }
0x5a: {  	_ =	shalt  }
0x5b: {  	_ =	shalt  }
0x5c: {  	_ =	shalt  }
0x5d: {  	_ =	shalt  }
0x5e: {  	_ =	shalt  }
0x5f: {  	_ =	shalt  }
0x60: {  	_ =	shalt  }
0x61: {  	_ =	shalt  }
0x62: {  	_ =	shalt  }
0x63: {  	_ =	shalt  }
0x64: {  	_ =	shalt  }
0x65: {  	_ =	shalt  }
0x66: {  	_ =	shalt  }
0x67: {  	_ =	shalt  }
0x68: {  	_ =	shalt  }
0x69: {  	_ =	shalt  }
0x6a: {  	_ =	shalt  }
0x6b: {  	_ =	shalt  }
0x6c: {  	_ =	shalt  }
0x6d: {  	_ =	shalt  }
0x6e: {  	_ =	shalt  }
0x6f: {  	_ =	shalt  }
0x70: {  	_ =	shalt  }
0x71: {  	_ =	shalt  }
0x72: {  	_ =	shalt  }
0x73: {  	_ =	shalt  }
0x74: {  	_ =	shalt  }
0x75: {  	_ =	shalt  }
0x76: {  	_ =	shalt  }
0x77: {  	_ =	shalt  }
0x78: {  	_ =	shalt  }
0x79: {  	_ =	shalt  }
0x7a: {  	_ =	shalt  }
0x7b: {  	_ =	shalt  }
0x7c: {  	_ =	shalt  }
0x7d: {  	_ =	shalt  }
0x7e: {  	_ =	shalt  }
0x7f: {  	_ =	shalt  }
0x80: {  	_ =	shalt  }
0x81: {  	_ =	shalt  }
0x82: {  	_ =	shalt  }
0x83: {  	_ =	shalt  }
0x84: {  	_ =	shalt  }
0x85: {  	_ =	shalt  }
0x86: {  	_ =	shalt  }
0x87: {  	_ =	shalt  }
.Lfunc_end0:
.L_simem_size_0:
called_computation.2_lowered:
.L_overlay_start_0:
0x88: {  	s2 =	sld [smem:$0x3FD9]  }
0x89: {  	s3 =	sld [smem:$0x3FFE];
	_ =	sdelay $0x1  }
0x8a: {  	s1 =	srdreg.scid  }
0x8b: {  	s0 =	sand.u32 $0x1, s1  }
0x8c: {  	s17 =	sshll.u32 s0, $0xA;
	s2 =	sadd.s32 s3, s2  }
0x8d: {  	s2 =	sadd.s32 s2, s17  }
0x8e: {  	[smem:$0x3FC2] =	sst s2  }
0x8f: {  	_ = 	snop  }
0x90: {  	s2 =	sld [smem:$0x3FD0];
	(tm) =	ssettm $0x1  }
0x91: {  	s18 =	sld [smem:$0x3FFB];
	_ =	sdelay $0x3  }
0x92: {  	_ =	strace s18  }
0x93: {  	s3 =	sld [smem:$0x3FFC];
	_ =	sdelay $0x3  }
0x94: {  	_ =	strace s3  }
0x95: {  	s3 =	sld [smem:$0x3FFD];
	_ =	sdelay $0x3  }
0x96: {  	_ =	strace s3  }
0x97: {  	_ =	strace $0x8FFFFFFF  }
0x98: {  	s19 =	sld [smem:$0x3FDB];
	_ =	sdelay $0x1  }
0x99: {  	s4 =	simm.s32 $_scs_section_size  }
0x9a: {  	s5 =	simm.s32 $_size__tile_overlayer_lowered;
	s6 =	simm.s32 $_tile_overlayer_lowered  }
0x9b: {  	s22 =	simm.s32 $0x1BFF;
	s21 =	sshll.u32 s6, $0x1;
	s3 =	sadd.s32 s4, s19  }
0x9c: {  	s7 =	simm.s32 $0x0;
	s20 =	sshll.u32 s5, $0x1;
	s5 =	sadd.s32 s21, s3  }
0x9d: {  	[timem:s7], [sflag:s22] =	dma.local [hbm:s5], s20  }
0x9e: {  	_ =	swait.ge [sflag:s22], s20  }
0x9f: {  	s4 =	ssub.s32 $0x0, s20;
	[sflag:s22] =	ssyncset.done $0x0  }
0xa0: {  	[sflag:s22] =	ssyncadd.s32 s4;
	_ =	sdelay $0x1  }
0xa1: {  	s23 =	simm.s32 $0x1B8B  }
0xa2: {  	_ =	swait.ge [sflag:s23], $0x1  }
0xa3: {  	[sflag:s23] =	ssyncset.done $0x0  }
0xa4: {  	s25 =	simm.s32 $0x1B8E;
	s24 =	sld [smem:$0x3FFE];
	[sflag:s23] =	ssyncadd.s32 $0xFFFFFFFF  }
0xa5: {  	s26 =	simm.s32 $execute0_lowered;
	[smem:$0x3FD2] =	sst s25  }
0xa6: {  	s5 =	sshll.u32 s26, $0x1;
	_ =	strace $0x8000004C;
	[dreg:$0x1] =	wrdreg $0xFFFFFFFF  }
0xa7: {  	s28 =	simm.s32 $_size_execute0_lowered;
	s3 =	sadd.s32 s3, s5;
	[dreg:$0x0] =	wrdreg $0x0  }
0xa8: {  	s5 =	sshll.u32 s28, $0x1;
	[dreg:$0x2] =	wrdreg s3  }
0xa9: {  	[dreg:$0x3] =	wrdreg s5  }
0xaa: {  	[dreg:$0x4] =	wrdreg $0xC0  }
0xab: {  	_ =	task [dreg:s7], $0x5FFFF  }
0xac: {  	[dreg:$0x1] =	wrdreg $0xFFFFFFFF  }
0xad: {  	[dreg:$0x0] =	wrdreg $0x60  }
0xae: {  	[dreg:$0x2] =	wrdreg s24  }
0xaf: {  	[dreg:$0x3] =	wrdreg s2  }
0xb0: {  	[dreg:$0x4] =	wrdreg $0x52780  }
0xb1: {  	[dreg:$0x5] =	wrdreg $0x50000  }
0xb2: {  	[dreg:$0x6] =	wrdreg $0x9  }
0xb3: {  	_ =	task.clear_ibuf [dreg:s7], $0x7FFFF;
	_ =	strace $0x9000004C  }
0xb4: {  	s29 =	simm.s32 $0x9;
	_ =	strace $0x8000004E  }
0xb5: {  	_ =	swait.ge [sflag:s29], $0x1  }
0xb6: {  	[sflag:s29] =	ssyncadd.s32 $0xFFFFFFFF  }
0xb7: {  	_ =	strace $0x9000004E  }
0xb8: {  	_ =	sfence  }
0xb9: {  	s30 =	sld [smem:$0x0];
	_ =	sdelay $0x2  }
0xba: {  	s31 =	sshll.u32 s1, $0xD;
	s1 =	sshrl.u32 s1, $0x2  }
0xbb: {  	s3 =	sand.u32 $0x4000, s31;
	s1 =	sadd.s32 s1, s30  }
0xbc: {  	s0 =	sor.u32 s3, s0;
	s1 =	sshll.u32 s1, $0x11  }
0xbd: {  	s0 =	sor.u32 s1, s0  }
0xbe: {  	s0 =	sadd.s32 $0x8F2B, s0  }
0xbf: {  	[sflag:s0] =	ssyncadd.remote.s32 $0x1  }
0xc0: {  	_ =	sfence.sel $0xFFFF  }
0xc1: {  	[dreg:$0x0] =	wrdreg $0xFFFFFFFF;
	(pc) =	sbr.abs _section_cstart, $3  }
0xc2: {  	[dreg:$0x1] =	wrdreg $0xFFFFFFFF  }
0xc3: {  	_ =	task.clear_ibuf [dreg:s7], $0x2FFFF;
	_ =	strace $0x9FFFFFFF  }
0xc4: {  	(tm) =	ssettm $0x7FFFFFFF  }
0xc5: {  	_ =	shalt  }
tec
execute0_lowered:
.L_overlay_start_1:
0x0: {  	(tag) =	ssettag $0x1  }
0x1: {  	s6 =	rddreg [dreg:$0x0]  }
0x2: {  	s0 =	rddreg [dreg:$0x1]  }
0x3: {  	s1 =	srdreg.scid;
	s2 =	rddreg [dreg:$0x2]  }
0x4: {  	s18 =	stileid.u32;
	s3 =	rddreg [dreg:$0x3]  }
0x5: {  	s4 =	simm.s32 $0x0;
	s11 =	simm.s32 $0x1C45;
	s12 =	simm.s32 $0x5  }
0x6: {  	s13 =	simm.s32 $0x2780;
	s14 =	simm.s32 $0x80;
	s15 =	simm.s32 $0x4F00  }
0x7: {  	s16 =	simm.s32 $0x4F80;
	s17 =	simm.s32 $0x1;
	s19 =	simm.s32 $0x3  }
0x8: {  	s20 =	simm.s32 $0x1C05;
	s5 =	sand.u32 $0x1, s1;
	s1 =	rddreg [dreg:$0x4]  }
0x9: {  	s21 =	simm.s32 $0x0;
	s31 =	sshll.u32 s18, $0x1;
	[smem:$0x7FF] =	sst s4  }
0xa: {  	p0 =	seq.s32 s18, $0x1;
	p1 =	sne.s32 s18, $0x0;
	s18 =	simm.s32 $0x4E80  }
0xb: {  	s7 =	sor.u32 s5, s31;
	s8 =	smul.u32 $0x4E3, s5;
	s9 =	ssub.s32 $0x2, s5  }
0xc: {  	_ =	strace $0x8000004D;
	s7 =	smul.u32 $0x4F0, s7;
	s10 =	sshrl.u32 s9, $0x1  }
0xd: {  	s5 =	sadd.s32 $0x15E00, s6;
	s8 =	sadd.s32 s8, s6;
	s9 =	ssub.s32 s9, s10  }
0xe: {  	s10 =	sshrl.u32 s3, $0x3;
	s7 =	sadd.s32 s7, s6;
	s8 =	sadd.s32 $0x16400, s8  }
0xf: {  	s9 =	smax.u32 s9, $0x1;
	s6 =	sadd.s32 $0xC000, s7;
	s7 =	sadd.s32 $0x2200, s7  }
.LBB2_1:
.Ltmp0:
0x10: {  	(pc) =	sbr.rel @p0 .LBB2_4-.Ltmp0, $1  }
0x11: {  	_ =	sdelay $0x3  }
.Ltmp1:
0x12: {  	(pc) =	sbr.rel @p1 .LBB2_6-.Ltmp1, $1  }
0x13: {  	_ =	sdelay $0x3  }
.Ltmp2:
0x14: {  	(pc) =	sbr.rel .LBB2_5-.Ltmp2, $3  }
0x15: {  	_ =	sdelay $0x1  }
0x16: {  	s22 =	sshrl.u32 s2, $0x3  }
0x17: {  	[spmem:s22], [sflag:s20] =	dma.local [hbm:s0], $0x4E3  }
.LBB2_4:
0x18: {  	[spmem:s10], [sflag:s11] =	dma.local [hbm:s5], $0x4E3  }
.LBB2_5:
0x19: {  	_ =	swait.ge [sflag:s12], $0x4E3  }
0x1a: {  	[sflag:s12] =	ssyncset.done $0x0  }
0x1b: {  	[sflag:s12] =	ssyncadd.s32 $0xFFFFFB1D  }
.LBB2_6:
0x1c: {  	[bflag:$0x0] =	sbarrier.arrive $0xFFFF  }
0x1d: {  	[tilespmem:s4], [sflag:$0x5] =	stream.linear.gather [hbm4b:s6+s4], $0x2780, $0x38;
	[tilespmem:$0x54F0] =	vst v63  }
0x1e: {  	_ =	swait.ge [sflag:s12], $0x2780  }
0x1f: {  	[sflag:s12] =	ssyncset.done $0x0  }
0x20: {  	[sflag:s12] =	ssyncadd.s32 $0xFFFFD880  }
0x21: {  	[tilespmem:s13], [sflag:$0x5] =	stream.linear.gather [hbm4b:s7+s4], $0x2780, $0x38;
	[tilespmem:$0x54F0] =	vst v63  }
0x22: {  	_ =	swait.ge [sflag:s12], $0x2780  }
0x23: {  	[sflag:s12] =	ssyncset.done $0x0  }
0x24: {  	[sflag:s12] =	ssyncadd.s32 $0xFFFFD880  }
0x25: {  	[tilespmem:s15], [sflag:$0x1] =	stream.indirect.gather [spmem:s3], $0x1, s4, s14, $0xb8;
	[tilespmem:$0x54F0] =	vst v63  }
0x26: {  	_ = 	snop  }
0x27: {  	[tilespmem:s16], [sflag:$0x2] =	stream.indirect.gather [spmem:s3], $0x1, s14, s14, $0xb8;
	[tilespmem:$0x54F0] =	vst v63  }
0x28: {  	s22 =	simm.s32 $0x2;
	s26 =	simm.s32 $0x1;
	_ =	swait.ge [sflag:s17], $0x80  }
0x29: {  	s23 =	sand.u32 $0x1, s22;
	s22 =	simm.s32 $0x100;
	[sflag:s17] =	ssyncset.done $0x0  }
0x2a: {  	s29 =	sand.u32 $0x1, s26;
	s24 =	sadd.s32 $0x3, s23;
	[sflag:s17] =	ssyncadd.s32 $0xFFFFFF80  }
0x2b: {  	[spmem:s2] =	stream.indirect.scatter.add.f32 [tilespmem:s15], [sflag:$0x3], $0x1, s13, s14, $0xb8;
	[tilespmem:$0x54F0] =	vst v63  }
0x2c: {  	s25 =	sshll.u32 s23, $0x7;
	s23 =	sadd.s32 $0x1, s23;
	_ =	swait.ge [sflag:s24], $0x80  }
0x2d: {  	s26 =	sadd.s32 $0x1, s29;
	s31 =	sshll.u32 s29, $0x7;
	[sflag:s24] =	ssyncset.done $0x0  }
0x2e: {  	s29 =	sadd.s32 $0x3, s29;
	s30 =	sor.u32 $0x4F00, s25;
	[sflag:s24] =	ssyncadd.s32 $0xFFFFFF80  }
0x2f: {  	[tilespmem:s30], [sflag:s23] =	stream.indirect.gather [spmem:s3], $0x1, s22, s14, $0xb8;
	[tilespmem:$0x54F0] =	vst v63  }
0x30: {  	s28 =	sor.u32 $0x4F00, s31;
	s25 =	simm.s32 $0x2800;
	_ =	swait.ge [sflag:s26], $0x80  }
0x31: {  	s24 =	simm.s32 $0x3;
	s23 =	simm.s32 $0x2800;
	[sflag:s26] =	ssyncset.done $0x0  }
.LBB2_7:
0x32: {  	[sflag:s26] =	ssyncadd.s32 $0xFFFFFF80  }
0x33: {  	s23 =	sadd.s32 $0x80, s23;
	s22 =	sadd.s32 $0x80, s22;
	s26 =	smov.u32 s24  }
0x34: {  	[spmem:s2] =	stream.indirect.scatter.add.f32 [tilespmem:s28], [sflag:s29], $0x1, s25, s14, $0xb8;
	[tilespmem:$0x54F0] =	vst v63  }
0x35: {  	p2 =	sne.s32 s24, $0x4E;
	s24 =	sadd.s32 $0x1, s24;
	s28 =	sand.u32 $0x1, s26  }
0x36: {  	s25 =	smov.u32 s23;
	s29 =	sadd.s32 $0x3, s28;
	s30 =	sshll.u32 s28, $0x7  }
0x37: {  	s26 =	sadd.s32 $0xFFFFFFFF, s26;
	_ =	swait.ge [sflag:s29], $0x80  }
0x38: {  	s28 =	sadd.s32 $0x1, s28;
	s31 =	sand.u32 $0x1, s26;
	[sflag:s29] =	ssyncset.done $0x0  }
.Ltmp3:
0x39: {  	s26 =	sor.u32 $0x4F00, s30;
	[sflag:s29] =	ssyncadd.s32 $0xFFFFFF80;
	(pc) =	sbr.rel @p2 .LBB2_7-.Ltmp3, $4  }
0x3a: {  	[tilespmem:s26], [sflag:s28] =	stream.indirect.gather [spmem:s3], $0x1, s22, s14, $0xb8;
	[tilespmem:$0x54F0] =	vst v63  }
0x3b: {  	s26 =	sadd.s32 $0x1, s31;
	s28 =	sshll.u32 s31, $0x7  }
0x3c: {  	_ =	swait.ge [sflag:s26], $0x80  }
0x3d: {  	s29 =	sadd.s32 $0x3, s31;
	s28 =	sor.u32 $0x4F00, s28;
	[sflag:s26] =	ssyncset.done $0x0  }
0x3e: {  	[sflag:s26] =	ssyncadd.s32 $0xFFFFFF80  }
0x3f: {  	[spmem:s2] =	stream.indirect.scatter.add.f32 [tilespmem:s28], [sflag:s29], $0x1, s25, s14, $0xb8;
	[tilespmem:$0x54F0] =	vst v63  }
0x40: {  	_ =	swait.ge [sflag:s29], $0x80  }
0x41: {  	[sflag:s29] =	ssyncset.done $0x0  }
0x42: {  	[sflag:s29] =	ssyncadd.s32 $0xFFFFFF80  }
0x43: {  	_ =	swait.ge [sflag:s17], $0x80  }
0x44: {  	[sflag:s17] =	ssyncset.done $0x0  }
0x45: {  	[sflag:s17] =	ssyncadd.s32 $0xFFFFFF80  }
0x46: {  	[spmem:s2] =	stream.indirect.scatter.add.f32 [tilespmem:s15], [sflag:$0x3], $0x1, s18, s14, $0xb8;
	[tilespmem:$0x54F0] =	vst v63  }
0x47: {  	_ =	swait.ge [sflag:s19], $0x80  }
0x48: {  	[sflag:s19] =	ssyncset.done $0x0  }
0x49: {  	s22 =	sshrl.u32 @!p1 s2, $0x3;
	s21 =	sadd.s32 $0x1, s21;
	[sflag:s19] =	ssyncadd.s32 $0xFFFFFF80  }
0x4a: {  	s23 =	simm.s32 @!p1 $0x1C05;
	p2 =	sne.s32 s21, s9;
	[bflag:$0x0] =	sbarrier.arrive $0xFFFF  }
0x4b: {  	[hbm:s8], [sflag:s23] =	dma.local @!p1 [spmem:s22], $0x4E3  }
.Ltmp4:
0x4c: {  	_ = 	snop;
	(pc) =	sbr.rel @p2 .LBB2_1-.Ltmp4, $4  }
0x4d: {  	s22 =	simm.s32 @!p1 $0x5  }
0x4e: {  	_ =	swait.ge @!p1 [sflag:s22], $0x4E3  }
0x4f: {  	[sflag:s22] =	ssyncset.done @!p1 $0x0  }
0x50: {  	[sflag:s22] =	ssyncadd.s32 @!p1 $0xFFFFFB1D  }
0x51: {  	_ =	sfence.sel $0x180000  }
0x52: {  	[bflag:$0x0] =	sbarrier.arrive $0xFFFF  }
0x53: {  	_ =	strace $0x9000004D  }
0x54: {  	s0 =	sadd.s32 @!p1 $0x100000, s1;
	[bflag:$0x2] =	sbarrier.arrive $0xFFFF  }
0x55: {  	[sflag:s0] =	ssyncadd.tile.s32 @!p1 $0x1;
	_ =	shalt  }
.Lfunc_end2:
_tile_overlayer_lowered:
.L_overlay_start_2:
0x56: {  	(tag) =	ssettag $0x2  }
0x57: {  	s0 =	rddreg [dreg:$0x0];
	s2 =	stileid.u32  }
0x58: {  	s1 =	rddreg [dreg:$0x1];
	p0 =	sne.s32 s2, $0x0  }
0x59: {  	s3 =	rddreg [dreg:$0x2];
	[bflag:$0x3] =	sbarrier.arrive $0xFFFF;
	s2 =	simm.s32 @!p0 $0x1C05  }
0x5a: {  	[timem:s3], [sflag:s2] =	dma.local @!p0 [hbm:s0], s1  }
0x5b: {  	s0 =	simm.s32 @!p0 $0x5  }
0x5c: {  	_ =	swait.ge @!p0 [sflag:s0], s1  }
0x5d: {  	s1 =	ssub.s32 @!p0 $0x0, s1;
	[sflag:s0] =	ssyncset.done @!p0 $0x0  }
0x5e: {  	[sflag:s0] =	ssyncadd.s32 @!p0 s1  }
0x5f: {  	[bflag:$0x3] =	sbarrier.arrive $0xFFFF  }
0x60: {  	_ =	shalt  }

// kernel: kernel.8.cloned.1.call-start
scs
__scs_entry_jumppad:
0x0: {  	(pc) =	sbr.rel $0x88, $3  }
0x1: {  	(tag) =	ssettag $0x0;
	lr =	simm.s32 $0x1  }
0x2: {  	[smem:$0x3F9B] =	sst lr;
	_ =	strace $0xD0000000  }
0x3: {  	_ = 	snop  }
0x4: {  	_ = 	snop  }
0x5: {  	_ = 	snop  }
0x6: {  	_ = 	snop  }
0x7: {  	_ = 	snop  }
__scs_overlays_trampoline_lowered:
0x8: {  	[smem:$0x3FAA] =	sst s0  }
0x9: {  	[smem:$0x3FAB] =	sst s1  }
0xa: {  	[smem:$0x3FAC] =	sst s2  }
0xb: {  	[smem:$0x3FAD] =	sst s3  }
0xc: {  	[smem:$0x3FAE] =	sst s4  }
0xd: {  	[smem:$0x3FAF] =	sst s5  }
0xe: {  	[smem:$0x3FB0] =	sst s6  }
0xf: {  	[smem:$0x3FB1] =	sst s7  }
0x10: {  	[smem:$0x3FB2] =	sst s8  }
0x11: {  	[smem:$0x3FB3] =	sst s9;
	s0 =	simm.s32 @!p0 $0x0  }
0x12: {  	s1 =	sld [smem:$0x3F99];
	s0 =	simm.s32 @p0 $0x1  }
0x13: {  	[smem:$0x3FB4] =	sst s0;
	s0 =	simm.s32 @!p1 $0x0  }
0x14: {  	s2 =	sld [smem:$0x3F98];
	s0 =	simm.s32 @p1 $0x1  }
0x15: {  	[smem:$0x3FB5] =	sst s0;
	s0 =	simm.s32 @!p2 $0x0  }
0x16: {  	s3 =	sld [smem:$0x3FDB];
	s0 =	simm.s32 @p2 $0x1  }
0x17: {  	s4 =	simm.s32 $0x1BF5;
	[smem:$0x3FB7] =	sst s0  }
0x18: {  	s0 =	sld [smem:$0x3F9A];
	_ =	swait.ge [sflag:s4], $0x0  }
0x19: {  	s7 =	sld [smem:$0x3F9B]  }
0x1a: {  	s8 =	sadd.s32 $0xFFFFE003, lr  }
0x1b: {  	s9 =	sadd.s32 $0xFFFFFEF7, lr;
	s5 =	simm.s32 $0xFFFFFFFF;
	p2 =	slt.u32 s8, $0xFFFFF086  }
0x1c: {  	p1 =	slt.u32 s9, $0xF7A;
	s5 =	simm.s32 @!p2 $0x0  }
0x1d: {  	s5 =	simm.s32 @p1 $0x1;
	p0 =	seq.s32 s7, s2  }
0x1e: {  	s7 =	smul.u32 @!p0 $0xF7A, s2;
	p2 =	seq.s32 @!p0 s5, $0x0  }
0x1f: {  	s9 =	smul.u32 $0xF7A, s1;
	s8 =	simm.s32 @!p0 $0x1BF5;
	p2 =	por !p2, p0  }
0x20: {  	[sflag:s8] =	ssyncset.s32 @!p0 $0xFFFFF086;
	s6 =	sadd.s32 @!p0 s3, s7;
	s7 =	simm.s32 @!p0 $0x108  }
0x21: {  	s3 =	sadd.s32 s3, s9;
	s6 =	sadd.s32 @!p0 $0x88, s6;
	s7 =	simm.s32 @p2 $0x1082  }
0x22: {  	[simem:s7], [sflag:s8] =	dma.local @!p0 [hbm:s6], $0xF7A  }
0x23: {  	s9 =	sor.u32 $0xD0000000, s2;
	s6 =	simm.s32 $0x108;
	_ =	swait.ge @!p0 [sflag:s8], $0x0  }
0x24: {  	s3 =	sadd.s32 $0x88, s3;
	s6 =	simm.s32 @!p1 $0x1082;
	[sflag:s4] =	ssyncset.s32 $0xFFFFF086  }
0x25: {  	[simem:s6], [sflag:s4] =	dma.local [hbm:s3], $0xF7A  }
0x26: {  	[smem:$0x3F9B] =	sst s1;
	(tag) =	ssettag s2;
	_ =	strace s9  }
0x27: {  	s1 =	sld [smem:$0x3FAB]  }
0x28: {  	s2 =	sld [smem:$0x3FAC]  }
0x29: {  	s4 =	sld [smem:$0x3FAE]  }
0x2a: {  	p0 =	seq.s32 s5, $0x0;
	s5 =	sld [smem:$0x3FAF]  }
0x2b: {  	s6 =	sld [smem:$0x3FB0]  }
0x2c: {  	s7 =	sld [smem:$0x3FB1]  }
0x2d: {  	s3 =	simm.s32 $0x108;
	s8 =	sld [smem:$0x3FB2]  }
0x2e: {  	s3 =	simm.s32 @!p0 $0x1082;
	s9 =	sld [smem:$0x3FB3]  }
0x2f: {  	lr =	sadd.s32 s0, s3;
	s0 =	sld [smem:$0x3FAA]  }
0x30: {  	s3 =	sld [smem:$0x3FAD]  }
0x31: {  	[smem:$0x3FB6] =	sst s10  }
0x32: {  	s10 =	sld [smem:$0x3FB4];
	_ =	sdelay $0x3  }
0x33: {  	p0 =	seq.s32 s10, $0x1;
	s10 =	sld [smem:$0x3FB6];
	_ =	sdelay $0x3  }
0x34: {  	[smem:$0x3FB6] =	sst s10  }
0x35: {  	s10 =	sld [smem:$0x3FB5];
	_ =	sdelay $0x3  }
0x36: {  	p1 =	seq.s32 s10, $0x1;
	s10 =	sld [smem:$0x3FB6];
	_ =	sdelay $0x3  }
0x37: {  	[smem:$0x3FB6] =	sst s10  }
0x38: {  	s10 =	sld [smem:$0x3FB7]  }
0x39: {  	_ = 	snop;
	(pc) =	sbr.ind lr, $3  }
0x3a: {  	_ = 	snop  }
0x3b: {  	_ = 	snop  }
0x3c: {  	p2 =	seq.s32 s10, $0x1;
	s10 =	sld [smem:$0x3FB6]  }
0x3d: {  	_ =	shalt  }
0x3e: {  	_ =	shalt  }
0x3f: {  	_ =	shalt  }
0x40: {  	_ =	shalt  }
0x41: {  	_ =	shalt  }
0x42: {  	_ =	shalt  }
0x43: {  	_ =	shalt  }
0x44: {  	_ =	shalt  }
0x45: {  	_ =	shalt  }
0x46: {  	_ =	shalt  }
0x47: {  	_ =	shalt  }
0x48: {  	_ =	shalt  }
0x49: {  	_ =	shalt  }
0x4a: {  	_ =	shalt  }
0x4b: {  	_ =	shalt  }
0x4c: {  	_ =	shalt  }
0x4d: {  	_ =	shalt  }
0x4e: {  	_ =	shalt  }
0x4f: {  	_ =	shalt  }
0x50: {  	_ =	shalt  }
0x51: {  	_ =	shalt  }
0x52: {  	_ =	shalt  }
0x53: {  	_ =	shalt  }
0x54: {  	_ =	shalt  }
0x55: {  	_ =	shalt  }
0x56: {  	_ =	shalt  }
0x57: {  	_ =	shalt  }
0x58: {  	_ =	shalt  }
0x59: {  	_ =	shalt  }
0x5a: {  	_ =	shalt  }
0x5b: {  	_ =	shalt  }
0x5c: {  	_ =	shalt  }
0x5d: {  	_ =	shalt  }
0x5e: {  	_ =	shalt  }
0x5f: {  	_ =	shalt  }
0x60: {  	_ =	shalt  }
0x61: {  	_ =	shalt  }
0x62: {  	_ =	shalt  }
0x63: {  	_ =	shalt  }
0x64: {  	_ =	shalt  }
0x65: {  	_ =	shalt  }
0x66: {  	_ =	shalt  }
0x67: {  	_ =	shalt  }
0x68: {  	_ =	shalt  }
0x69: {  	_ =	shalt  }
0x6a: {  	_ =	shalt  }
0x6b: {  	_ =	shalt  }
0x6c: {  	_ =	shalt  }
0x6d: {  	_ =	shalt  }
0x6e: {  	_ =	shalt  }
0x6f: {  	_ =	shalt  }
0x70: {  	_ =	shalt  }
0x71: {  	_ =	shalt  }
0x72: {  	_ =	shalt  }
0x73: {  	_ =	shalt  }
0x74: {  	_ =	shalt  }
0x75: {  	_ =	shalt  }
0x76: {  	_ =	shalt  }
0x77: {  	_ =	shalt  }
0x78: {  	_ =	shalt  }
0x79: {  	_ =	shalt  }
0x7a: {  	_ =	shalt  }
0x7b: {  	_ =	shalt  }
0x7c: {  	_ =	shalt  }
0x7d: {  	_ =	shalt  }
0x7e: {  	_ =	shalt  }
0x7f: {  	_ =	shalt  }
0x80: {  	_ =	shalt  }
0x81: {  	_ =	shalt  }
0x82: {  	_ =	shalt  }
0x83: {  	_ =	shalt  }
0x84: {  	_ =	shalt  }
0x85: {  	_ =	shalt  }
0x86: {  	_ =	shalt  }
0x87: {  	_ =	shalt  }
.Lfunc_end0:
.L_simem_size_0:
called_computation_lowered:
.L_overlay_start_0:
0x88: {  	s2 =	sld [smem:$0x3FD9]  }
0x89: {  	s3 =	sld [smem:$0x3FFE];
	_ =	sdelay $0x1  }
0x8a: {  	s1 =	srdreg.scid  }
0x8b: {  	s0 =	sand.u32 $0x1, s1  }
0x8c: {  	s17 =	sshll.u32 s0, $0xA;
	s2 =	sadd.s32 s3, s2  }
0x8d: {  	s2 =	sadd.s32 s2, s17  }
0x8e: {  	[smem:$0x3FC2] =	sst s2  }
0x8f: {  	_ = 	snop  }
0x90: {  	s2 =	sld [smem:$0x3FD0];
	(tm) =	ssettm $0x1  }
0x91: {  	s18 =	sld [smem:$0x3FFB];
	_ =	sdelay $0x3  }
0x92: {  	_ =	strace s18  }
0x93: {  	s3 =	sld [smem:$0x3FFC];
	_ =	sdelay $0x3  }
0x94: {  	_ =	strace s3  }
0x95: {  	s3 =	sld [smem:$0x3FFD];
	_ =	sdelay $0x3  }
0x96: {  	_ =	strace s3  }
0x97: {  	_ =	strace $0x8FFFFFFF  }
0x98: {  	s19 =	sld [smem:$0x3FDB];
	_ =	sdelay $0x1  }
0x99: {  	s4 =	simm.s32 $_scs_section_size  }
0x9a: {  	s5 =	simm.s32 $_size__tile_overlayer_lowered;
	s6 =	simm.s32 $_tile_overlayer_lowered  }
0x9b: {  	s22 =	simm.s32 $0x1BFF;
	s21 =	sshll.u32 s6, $0x1;
	s3 =	sadd.s32 s4, s19  }
0x9c: {  	s7 =	simm.s32 $0x0;
	s20 =	sshll.u32 s5, $0x1;
	s5 =	sadd.s32 s21, s3  }
0x9d: {  	[timem:s7], [sflag:s22] =	dma.local [hbm:s5], s20  }
0x9e: {  	_ =	swait.ge [sflag:s22], s20  }
0x9f: {  	s4 =	ssub.s32 $0x0, s20;
	[sflag:s22] =	ssyncset.done $0x0  }
0xa0: {  	[sflag:s22] =	ssyncadd.s32 s4;
	_ =	sdelay $0x1  }
0xa1: {  	s23 =	simm.s32 $0x1B8B  }
0xa2: {  	_ =	swait.ge [sflag:s23], $0x1  }
0xa3: {  	[sflag:s23] =	ssyncset.done $0x0  }
0xa4: {  	s25 =	simm.s32 $0x1B8E;
	s24 =	sld [smem:$0x3FFE];
	[sflag:s23] =	ssyncadd.s32 $0xFFFFFFFF  }
0xa5: {  	s26 =	simm.s32 $execute0_lowered;
	[smem:$0x3FD2] =	sst s25  }
0xa6: {  	s5 =	sshll.u32 s26, $0x1;
	_ =	strace $0x80000046;
	[dreg:$0x1] =	wrdreg $0xFFFFFFFF  }
0xa7: {  	s28 =	simm.s32 $_size_execute0_lowered;
	s3 =	sadd.s32 s3, s5;
	[dreg:$0x0] =	wrdreg $0x0  }
0xa8: {  	s5 =	sshll.u32 s28, $0x1;
	[dreg:$0x2] =	wrdreg s3  }
0xa9: {  	[dreg:$0x3] =	wrdreg s5  }
0xaa: {  	[dreg:$0x4] =	wrdreg $0xC0  }
0xab: {  	_ =	task [dreg:s7], $0x5FFFF  }
0xac: {  	[dreg:$0x1] =	wrdreg $0xFFFFFFFF  }
0xad: {  	[dreg:$0x0] =	wrdreg $0x60  }
0xae: {  	[dreg:$0x2] =	wrdreg s24  }
0xaf: {  	[dreg:$0x3] =	wrdreg s2  }
0xb0: {  	[dreg:$0x4] =	wrdreg $0x4F800  }
0xb1: {  	[dreg:$0x5] =	wrdreg $0x51F80  }
0xb2: {  	[dreg:$0x6] =	wrdreg $0x9  }
0xb3: {  	_ =	task.clear_ibuf [dreg:s7], $0x7FFFF;
	_ =	strace $0x90000046  }
0xb4: {  	s29 =	simm.s32 $0x9;
	_ =	strace $0x80000048  }
0xb5: {  	_ =	swait.ge [sflag:s29], $0x1  }
0xb6: {  	[sflag:s29] =	ssyncadd.s32 $0xFFFFFFFF  }
0xb7: {  	_ =	strace $0x90000048  }
0xb8: {  	_ =	sfence  }
0xb9: {  	s30 =	sld [smem:$0x0];
	_ =	sdelay $0x2  }
0xba: {  	s31 =	sshll.u32 s1, $0xD;
	s1 =	sshrl.u32 s1, $0x2  }
0xbb: {  	s3 =	sand.u32 $0x4000, s31;
	s1 =	sadd.s32 s1, s30  }
0xbc: {  	s0 =	sor.u32 s3, s0;
	s1 =	sshll.u32 s1, $0x11  }
0xbd: {  	s0 =	sor.u32 s1, s0  }
0xbe: {  	s0 =	sadd.s32 $0x8F2B, s0  }
0xbf: {  	[sflag:s0] =	ssyncadd.remote.s32 $0x1  }
0xc0: {  	_ =	sfence.sel $0xFFFF  }
0xc1: {  	[dreg:$0x0] =	wrdreg $0xFFFFFFFF;
	(pc) =	sbr.abs _section_cstart, $3  }
0xc2: {  	[dreg:$0x1] =	wrdreg $0xFFFFFFFF  }
0xc3: {  	_ =	task.clear_ibuf [dreg:s7], $0x2FFFF;
	_ =	strace $0x9FFFFFFF  }
0xc4: {  	(tm) =	ssettm $0x7FFFFFFF  }
0xc5: {  	_ =	shalt  }
tec
execute0_lowered:
.L_overlay_start_1:
0x0: {  	(tag) =	ssettag $0x1  }
0x1: {  	s5 =	rddreg [dreg:$0x0]  }
0x2: {  	s0 =	rddreg [dreg:$0x1]  }
0x3: {  	s1 =	rddreg [dreg:$0x2];
	s2 =	srdreg.scid  }
0x4: {  	s9 =	stileid.u32;
	s3 =	rddreg [dreg:$0x3];
	s4 =	simm.s32 $0x0  }
0x5: {  	s13 =	simm.s32 $0x2780;
	s14 =	simm.s32 $0x80;
	s15 =	simm.s32 $0x4F00  }
0x6: {  	s16 =	simm.s32 $0x2800;
	s17 =	simm.s32 $0x100;
	s18 =	simm.s32 $0x2880  }
0x7: {  	s19 =	simm.s32 $0x180;
	s20 =	simm.s32 $0x2900;
	s21 =	simm.s32 $0x1  }
0x8: {  	s22 =	simm.s32 $0x2;
	s6 =	sand.u32 $0x1, s2;
	s2 =	rddreg [dreg:$0x4]  }
0x9: {  	s23 =	simm.s32 $0x0;
	s7 =	sshll.u32 s9, $0x1;
	[smem:$0x7FF] =	sst s4  }
0xa: {  	s11 =	sadd.s32 $0x15E00, s5;
	p0 =	sne.s32 s9, $0x0;
	s8 =	ssub.s32 $0x2, s6  }
0xb: {  	s7 =	sor.u32 s6, s7;
	s10 =	smul.u32 $0x4E30, s6;
	s28 =	sshrl.u32 s8, $0x1  }
0xc: {  	_ =	strace $0x80000047;
	s7 =	smul.u32 $0x4F0, s7;
	s12 =	ssub.s32 s8, s28  }
0xd: {  	s29 =	sadd.s32 $0x2718, s10;
	s30 =	sshrl.u32 s10, $0x3;
	s10 =	sshrl.u32 @!p0 s1, $0x3  }
0xe: {  	s26 =	sadd.s32 s7, s5;
	s31 =	sshrl.u32 s29, $0x3;
	s7 =	sadd.s32 s11, s30  }
0xf: {  	s9 =	smax.u32 s12, $0x1;
	s12 =	simm.s32 $0x3;
	s5 =	sadd.s32 $0xC000, s26  }
0x10: {  	v0 =	vimm.f32 $1.000000000e+00;
	s6 =	sadd.s32 $0x2200, s26;
	s8 =	sadd.s32 s11, s31;
	s11 =	sshrl.u32 @!p0 s3, $0x3  }
.LBB2_1:
0x11: {  	[tilespmem:$0x4F00] =	vst v0  }
0x12: {  	[tilespmem:$0x4F10] =	vst v0  }
0x13: {  	[tilespmem:$0x4F20] =	vst v0  }
0x14: {  	[tilespmem:$0x4F30] =	vst v0  }
0x15: {  	[tilespmem:$0x4F40] =	vst v0  }
0x16: {  	[tilespmem:$0x4F50] =	vst v0  }
0x17: {  	[tilespmem:$0x4F60] =	vst v0  }
0x18: {  	[tilespmem:$0x4F70] =	vst v0;
	s24 =	simm.s32 @!p0 $0x1C03;
	s25 =	simm.s32 @!p0 $0x3  }
0x19: {  	[spmem:s10], [sflag:s24] =	dma.local @!p0 [hbm:s0], $0x4E3  }
0x1a: {  	_ =	swait.ge @!p0 [sflag:s25], $0x4E3  }
0x1b: {  	[sflag:s25] =	ssyncset.done @!p0 $0x0  }
0x1c: {  	[sflag:s25] =	ssyncadd.s32 @!p0 $0xFFFFFB1D  }
0x1d: {  	[spmem:s11], [sflag:s24] =	dma.local @!p0 [hbm:s0], $0x4E3  }
0x1e: {  	_ =	swait.ge @!p0 [sflag:s25], $0x4E3  }
0x1f: {  	[sflag:s25] =	ssyncset.done @!p0 $0x0  }
0x20: {  	[sflag:s25] =	ssyncadd.s32 @!p0 $0xFFFFFB1D  }
0x21: {  	[bflag:$0x0] =	sbarrier.arrive $0xFFFF  }
0x22: {  	[tilespmem:s4], [sflag:$0x3] =	stream.linear.gather [hbm4b:s5+s4], $0x2780, $0x38;
	[tilespmem:$0x5470] =	vst v63  }
0x23: {  	_ =	swait.ge [sflag:s12], $0x2780  }
0x24: {  	[sflag:s12] =	ssyncset.done $0x0  }
0x25: {  	[sflag:s12] =	ssyncadd.s32 $0xFFFFD880  }
0x26: {  	[tilespmem:s13], [sflag:$0x3] =	stream.linear.gather [hbm4b:s6+s4], $0x2780, $0x38;
	[tilespmem:$0x5470] =	vst v63  }
0x27: {  	_ =	swait.ge [sflag:s12], $0x2780  }
0x28: {  	[sflag:s12] =	ssyncset.done $0x0  }
0x29: {  	[sflag:s12] =	ssyncadd.s32 $0xFFFFD880  }
0x2a: {  	[spmem:s1] =	stream.indirect.scatter.add.f32 [tilespmem:s15], [sflag:$0x1], $0x1, s4, s14, $0xb8;
	[tilespmem:$0x5470] =	vst v63  }
0x2b: {  	_ = 	snop  }
0x2c: {  	[spmem:s3] =	stream.indirect.scatter.add.f32 [tilespmem:s15], [sflag:$0x2], $0x1, s13, s14, $0xb8;
	[tilespmem:$0x5470] =	vst v63  }
0x2d: {  	_ = 	snop  }
0x2e: {  	[spmem:s1] =	stream.indirect.scatter.add.f32 [tilespmem:s15], [sflag:$0x1], $0x1, s14, s14, $0xb8;
	[tilespmem:$0x5470] =	vst v63  }
0x2f: {  	_ = 	snop  }
0x30: {  	[spmem:s3] =	stream.indirect.scatter.add.f32 [tilespmem:s15], [sflag:$0x2], $0x1, s16, s14, $0xb8;
	[tilespmem:$0x5470] =	vst v63  }
0x31: {  	_ = 	snop  }
0x32: {  	[spmem:s1] =	stream.indirect.scatter.add.f32 [tilespmem:s15], [sflag:$0x1], $0x1, s17, s14, $0xb8;
	[tilespmem:$0x5470] =	vst v63  }
0x33: {  	_ = 	snop  }
0x34: {  	[spmem:s3] =	stream.indirect.scatter.add.f32 [tilespmem:s15], [sflag:$0x2], $0x1, s18, s14, $0xb8;
	[tilespmem:$0x5470] =	vst v63  }
0x35: {  	_ = 	snop  }
0x36: {  	[spmem:s1] =	stream.indirect.scatter.add.f32 [tilespmem:s15], [sflag:$0x1], $0x1, s19, s14, $0xb8;
	[tilespmem:$0x5470] =	vst v63  }
0x37: {  	_ = 	snop  }
0x38: {  	[spmem:s3] =	stream.indirect.scatter.add.f32 [tilespmem:s15], [sflag:$0x2], $0x1, s20, s14, $0xb8;
	[tilespmem:$0x5470] =	vst v63  }
0x39: {  	_ =	swait.ge [sflag:s21], $0x80  }
0x3a: {  	[sflag:s21] =	ssyncset.done $0x0  }
0x3b: {  	[sflag:s21] =	ssyncadd.s32 $0xFFFFFF80  }
0x3c: {  	_ =	swait.ge [sflag:s22], $0x80  }
0x3d: {  	s31 =	simm.s32 $0x200;
	[sflag:s22] =	ssyncset.done $0x0  }
0x3e: {  	s24 =	simm.s32 $0xA00;
	s25 =	simm.s32 $0x2980;
	[sflag:s22] =	ssyncadd.s32 $0xFFFFFF80  }
0x3f: {  	[spmem:s1] =	stream.indirect.scatter.add.f32 [tilespmem:s15], [sflag:$0x1], $0x1, s31, s14, $0xb8;
	[tilespmem:$0x5470] =	vst v63  }
.LBB2_2:
0x40: {  	[spmem:s3] =	stream.indirect.scatter.add.f32 [tilespmem:s15], [sflag:$0x2], $0x1, s25, s14, $0xb8;
	[tilespmem:$0x5470] =	vst v63  }
0x41: {  	s25 =	smov.u32 s24  }
0x42: {  	p1 =	sne.s32 s24, $0x9C00;
	s24 =	sadd.s32 $0x200, s24;
	_ =	swait.ge [sflag:s21], $0x80  }
0x43: {  	[sflag:s21] =	ssyncset.done $0x0  }
0x44: {  	[sflag:s21] =	ssyncadd.s32 $0xFFFFFF80  }
.Ltmp0:
0x45: {  	_ =	swait.ge [sflag:s22], $0x80;
	(pc) =	sbr.rel @p1 .LBB2_2-.Ltmp0, $4  }
0x46: {  	[sflag:s22] =	ssyncset.done $0x0  }
0x47: {  	s25 =	sshra.s32 s25, $0x2;
	[sflag:s22] =	ssyncadd.s32 $0xFFFFFF80  }
0x48: {  	[spmem:s1] =	stream.indirect.scatter.add.f32 [tilespmem:s15], [sflag:$0x1], $0x1, s25, s14, $0xb8;
	[tilespmem:$0x5470] =	vst v63  }
0x49: {  	s25 =	sadd.s32 $0x2780, s25  }
0x4a: {  	[spmem:s3] =	stream.indirect.scatter.add.f32 [tilespmem:s15], [sflag:$0x2], $0x1, s25, s14, $0xb8;
	[tilespmem:$0x5470] =	vst v63  }
0x4b: {  	_ =	swait.ge [sflag:s21], $0x80  }
0x4c: {  	[sflag:s21] =	ssyncset.done $0x0  }
0x4d: {  	[sflag:s21] =	ssyncadd.s32 $0xFFFFFF80  }
0x4e: {  	_ =	swait.ge [sflag:s22], $0x80  }
0x4f: {  	[sflag:s22] =	ssyncset.done $0x0  }
0x50: {  	[sflag:s22] =	ssyncadd.s32 $0xFFFFFF80  }
0x51: {  	_ =	swait.ge [sflag:s21], $0x80  }
0x52: {  	[sflag:s21] =	ssyncset.done $0x0  }
0x53: {  	[sflag:s21] =	ssyncadd.s32 $0xFFFFFF80  }
0x54: {  	_ =	swait.ge [sflag:s22], $0x80  }
0x55: {  	[sflag:s22] =	ssyncset.done $0x0  }
0x56: {  	[sflag:s22] =	ssyncadd.s32 $0xFFFFFF80  }
0x57: {  	_ =	swait.ge [sflag:s21], $0x80  }
0x58: {  	[sflag:s21] =	ssyncset.done $0x0  }
0x59: {  	[sflag:s21] =	ssyncadd.s32 $0xFFFFFF80  }
0x5a: {  	_ =	swait.ge [sflag:s22], $0x80  }
0x5b: {  	[sflag:s22] =	ssyncset.done $0x0  }
0x5c: {  	[sflag:s22] =	ssyncadd.s32 $0xFFFFFF80  }
0x5d: {  	_ =	swait.ge [sflag:s21], $0x80  }
0x5e: {  	[sflag:s21] =	ssyncset.done $0x0  }
0x5f: {  	[sflag:s21] =	ssyncadd.s32 $0xFFFFFF80  }
0x60: {  	_ =	swait.ge [sflag:s22], $0x80  }
0x61: {  	[sflag:s22] =	ssyncset.done $0x0  }
0x62: {  	[sflag:s22] =	ssyncadd.s32 $0xFFFFFF80  }
0x63: {  	s24 =	simm.s32 @!p0 $0x1C03;
	s25 =	simm.s32 @!p0 $0x3;
	[bflag:$0x0] =	sbarrier.arrive $0xFFFF  }
0x64: {  	[hbm:s7], [sflag:s24] =	dma.local @!p0 [spmem:s10], $0x4E3  }
0x65: {  	s23 =	sadd.s32 $0x1, s23;
	_ =	swait.ge @!p0 [sflag:s25], $0x4E3  }
0x66: {  	p1 =	sne.s32 s23, s9;
	[sflag:s25] =	ssyncset.done @!p0 $0x0  }
.Ltmp1:
0x67: {  	[sflag:s25] =	ssyncadd.s32 @!p0 $0xFFFFFB1D;
	(pc) =	sbr.rel @p1 .LBB2_1-.Ltmp1, $4  }
0x68: {  	[hbm:s8], [sflag:s24] =	dma.local @!p0 [spmem:s11], $0x4E3  }
0x69: {  	_ =	swait.ge @!p0 [sflag:s25], $0x4E3  }
0x6a: {  	[sflag:s25] =	ssyncset.done @!p0 $0x0  }
0x6b: {  	[sflag:s25] =	ssyncadd.s32 @!p0 $0xFFFFFB1D  }
0x6c: {  	_ =	sfence.sel $0x180000  }
0x6d: {  	[bflag:$0x0] =	sbarrier.arrive $0xFFFF  }
0x6e: {  	_ =	strace $0x90000047  }
0x6f: {  	s0 =	sadd.s32 @!p0 $0x100000, s2;
	[bflag:$0x2] =	sbarrier.arrive $0xFFFF  }
0x70: {  	[sflag:s0] =	ssyncadd.tile.s32 @!p0 $0x1;
	_ =	shalt  }
.Lfunc_end2:
_tile_overlayer_lowered:
.L_overlay_start_2:
0x71: {  	(tag) =	ssettag $0x2  }
0x72: {  	s0 =	rddreg [dreg:$0x0];
	s2 =	stileid.u32  }
0x73: {  	s1 =	rddreg [dreg:$0x1];
	p0 =	sne.s32 s2, $0x0  }
0x74: {  	s3 =	rddreg [dreg:$0x2];
	[bflag:$0x3] =	sbarrier.arrive $0xFFFF;
	s2 =	simm.s32 @!p0 $0x1C03  }
0x75: {  	[timem:s3], [sflag:s2] =	dma.local @!p0 [hbm:s0], s1  }
0x76: {  	s0 =	simm.s32 @!p0 $0x3  }
0x77: {  	_ =	swait.ge @!p0 [sflag:s0], s1  }
0x78: {  	s1 =	ssub.s32 @!p0 $0x0, s1;
	[sflag:s0] =	ssyncset.done @!p0 $0x0  }
0x79: {  	[sflag:s0] =	ssyncadd.s32 @!p0 s1  }
0x7a: {  	[bflag:$0x3] =	sbarrier.arrive $0xFFFF  }
0x7b: {  	_ =	shalt  }

</sc_bundles>
